<compile_context>
chip_gen: v7x
topology: tpu7x:2x2x1
jax: 0.10.2.dev20260603
libtpu: 0.0.44.dev20260713+nightly
codegen_flags: <defaults>
</compile_context>

<pallas_src>
import functools

import jax
import jax.numpy as jnp
from jax import lax
from jax.experimental import pallas as pl
from jax.experimental.pallas import tpu as pltpu
from jax.experimental.pallas import tpu_sc as plsc

N_NODES = 10000
N_EDGES = 320000
CH = 128

NC = 2
NS = 16
NW = NC * NS

K = 128
R = 10240
RPT = R // NS
CPS = 40
SA = 3
SB = 1
CROW = (SA + SB) * CPS
E_PAD = NS * CROW * K


def _seg_sum_body(x_hbm, src_hbm, dst_hbm, out_hbm,
                  srcb, dstb, dummyb, rows0, rows1, acc, g0, g1, s0, s1):
    cid = lax.axis_index("c")
    sid = lax.axis_index("s")

    zero16 = jnp.zeros((16,), jnp.float32)
    dummy16 = jnp.full((16,), R - 1, jnp.int32)

    def zfill(i, _):
        r = i // (CH // 16)
        c = (i % (CH // 16)) * 16
        rows0[r, pl.ds(c, 16)] = zero16
        return 0

    lax.fori_loop(0, K * (CH // 16), zfill, 0)
    for j in range(K // 16):
        dummyb[pl.ds(j * 16, 16)] = dummy16

    def zcopy(i, _):
        pltpu.sync_copy(rows0, acc.at[pl.ds(sid * RPT + i * K, K)])
        return 0

    with jax.named_scope("ph_zero"):
        lax.fori_loop(0, RPT // K, zcopy, 0)
        plsc.subcore_barrier()

    def prime_scatters():
        pltpu.async_copy(rows0, acc.at[dummyb], s0, add=True)
        pltpu.async_copy(rows1, acc.at[dummyb], s1, add=True)

    def drain_scatters():
        pltpu.make_async_copy(x_hbm.at[dummyb], rows0, s0).wait()
        pltpu.make_async_copy(x_hbm.at[dummyb], rows1, s1).wait()

    def pair(i, _):
        t0 = 2 * i
        t1 = t0 + 1
        pltpu.make_async_copy(x_hbm.at[dummyb], rows0, s0).wait()
        pltpu.async_copy(x_hbm.at[srcb.at[t0]], rows0, g0)
        pltpu.make_async_copy(x_hbm.at[dummyb], rows1, s1).wait()
        pltpu.async_copy(x_hbm.at[srcb.at[t1]], rows1, g1)
        pltpu.make_async_copy(x_hbm.at[dummyb], rows0, g0).wait()
        pltpu.async_copy(rows0, acc.at[dstb.at[t0]], s0, add=True)
        pltpu.make_async_copy(x_hbm.at[dummyb], rows1, g1).wait()
        pltpu.async_copy(rows1, acc.at[dstb.at[t1]], s1, add=True)
        return 0

    base_off = jnp.where(cid == 0, 0, SA * CPS)
    with jax.named_scope("ph_edges"):
        for g in range(SA):
            @pl.when(jnp.logical_or(cid == 0, g < SB))
            def _stage():
                off = base_off + g * CPS
                pltpu.sync_copy(src_hbm.at[sid, pl.ds(off, CPS)], srcb)
                pltpu.sync_copy(dst_hbm.at[sid, pl.ds(off, CPS)], dstb)
                prime_scatters()
                lax.fori_loop(0, CPS // 2, pair, 0)
                drain_scatters()
        plsc.subcore_barrier()

    with jax.named_scope("ph_writeout"):
        pltpu.sync_copy(acc.at[pl.ds(sid * RPT, RPT)],
                        out_hbm.at[cid, pl.ds(sid * RPT, RPT)])


_seg_sum = functools.partial(
    pl.kernel,
    out_type=jax.ShapeDtypeStruct((NC, R, CH), jnp.float32),
    mesh=plsc.VectorSubcoreMesh(core_axis_name="c", subcore_axis_name="s"),
    scratch_types=[
        pltpu.VMEM((CPS, K), jnp.int32),
        pltpu.VMEM((CPS, K), jnp.int32),
        pltpu.VMEM((K,), jnp.int32),
        pltpu.VMEM((K, CH), jnp.float32),
        pltpu.VMEM((K, CH), jnp.float32),
        pltpu.VMEM_SHARED((R, CH), jnp.float32),
        pltpu.SemaphoreType.DMA,
        pltpu.SemaphoreType.DMA,
        pltpu.SemaphoreType.DMA,
        pltpu.SemaphoreType.DMA,
    ],
)(_seg_sum_body)


BLK = 1000


def _mlp_body(last, x_ref, p_ref, wa_ref, ba_ref, wb_ref, bb_ref, o_ref):
    h0 = x_ref[...] + p_ref[0] + p_ref[1]
    dn = (((1,), (1,)), ((), ()))
    t = lax.dot_general(h0, wa_ref[...], dimension_numbers=dn,
                        precision=lax.Precision.HIGHEST,
                        preferred_element_type=jnp.float32) + ba_ref[...]
    t = jnp.maximum(t, 0.0)
    h = lax.dot_general(t, wb_ref[...], dimension_numbers=dn,
                        precision=lax.Precision.HIGHEST,
                        preferred_element_type=jnp.float32) + bb_ref[...]
    if last:
        m = jnp.max(h, axis=1, keepdims=True)
        lse = jnp.log(jnp.sum(jnp.exp(h - m), axis=1, keepdims=True)) + m
        o_ref[...] = h - lse
    else:
        o_ref[...] = jnp.maximum(h, 0.0)


def _mlp(last, x, parts, wa, ba, wb, bb):
    grid = (N_NODES // BLK,)
    return pl.pallas_call(
        functools.partial(_mlp_body, last),
        grid=grid,
        in_specs=[
            pl.BlockSpec((BLK, CH), lambda i: (i, 0)),
            pl.BlockSpec((NC, BLK, CH), lambda i: (0, i, 0)),
            pl.BlockSpec((CH, CH), lambda i: (0, 0)),
            pl.BlockSpec((1, CH), lambda i: (0, 0)),
            pl.BlockSpec((CH, CH), lambda i: (0, 0)),
            pl.BlockSpec((1, CH), lambda i: (0, 0)),
        ],
        out_specs=pl.BlockSpec((BLK, CH), lambda i: (i, 0)),
        out_shape=jax.ShapeDtypeStruct((N_NODES, CH), jnp.float32),
    )(x, parts, wa, ba, wb, bb)


def kernel(x, edge_index, W1a, b1a, W1b, b1b, W2a, b2a, W2b, b2b):
    pad = E_PAD - N_EDGES
    src = jnp.concatenate([edge_index[0], jnp.zeros((pad,), jnp.int32)])
    dst = jnp.concatenate([edge_index[1], jnp.full((pad,), N_NODES, jnp.int32)])
    src = src.reshape(NS, CROW, K)
    dst = dst.reshape(NS, CROW, K)
    b1a2, b1b2 = b1a.reshape(1, CH), b1b.reshape(1, CH)
    b2a2, b2b2 = b2a.reshape(1, CH), b2b.reshape(1, CH)

    parts1 = _seg_sum(x, src, dst)
    h = _mlp(False, x, parts1, W1a, b1a2, W1b, b1b2)
    parts2 = _seg_sum(h, src, dst)
    return _mlp(True, h, parts2, W2a, b2a2, W2b, b2b2)

# --- scband reference (transcript-rebuilt; emitter-appended) ---
"""Pipeline reference for scband-my-gin-26182120636972 (READ-ONLY COPY).

The authoritative reference and input builder live on the scoring server;
editing this copy changes nothing except your own understanding.
"""

import jax, jax.numpy as jnp
import numpy as np

N_NODES = 10000
N_EDGES = 320000
IN_CH = 128
HID_CH = 128
OUT_CH = 128


def setup_inputs(seed: int = 0) -> dict:
    key = jax.random.key(seed)
    ks = jax.random.split(key, 12)
    x = jax.random.normal(ks[0], (N_NODES, IN_CH), dtype=jnp.float32)
    edge_index = jax.random.randint(ks[1], (2, N_EDGES), 0, N_NODES, dtype=jnp.int32)
    # GINConv layer 1 MLP: Linear(IN, HID) -> ReLU -> Linear(HID, HID)
    W1a = jax.random.normal(ks[2], (HID_CH, IN_CH), dtype=jnp.float32) / np.sqrt(IN_CH)
    b1a = jnp.zeros((HID_CH,), dtype=jnp.float32)
    W1b = jax.random.normal(ks[3], (HID_CH, HID_CH), dtype=jnp.float32) / np.sqrt(HID_CH)
    b1b = jnp.zeros((HID_CH,), dtype=jnp.float32)
    # GINConv layer 2 MLP: Linear(HID, HID) -> ReLU -> Linear(HID, OUT)
    W2a = jax.random.normal(ks[4], (HID_CH, HID_CH), dtype=jnp.float32) / np.sqrt(HID_CH)
    b2a = jnp.zeros((HID_CH,), dtype=jnp.float32)
    W2b = jax.random.normal(ks[5], (OUT_CH, HID_CH), dtype=jnp.float32) / np.sqrt(HID_CH)
    b2b = jnp.zeros((OUT_CH,), dtype=jnp.float32)
    return {"x": x, "edge_index": edge_index, "W1a": W1a, "b1a": b1a, "W1b": W1b, "b1b": b1b, "W2a": W2a, "b2a": b2a, "W2b": W2b, "b2b": b2b}


def reference(x, edge_index, W1a, b1a, W1b, b1b, W2a, b2a, W2b, b2b):
    # PyG GIN (BasicGNN) with num_layers=2, eps=0, eval mode (dropout=identity).
    src = edge_index[0]
    dst = edge_index[1]
    # --- GINConv 1: nn((1+eps)*x + sum_{j in N(i)} x_j) ---
    agg1 = jax.ops.segment_sum(jnp.take(x, src, axis=0), dst, num_segments=N_NODES)
    h = x + agg1
    h = jnp.maximum(h @ W1a.T + b1a, 0.0)
    h = h @ W1b.T + b1b
    # inter-layer activation (ReLU) + dropout(eval -> identity)
    h = jnp.maximum(h, 0.0)
    # --- GINConv 2 ---
    agg2 = jax.ops.segment_sum(jnp.take(h, src, axis=0), dst, num_segments=N_NODES)
    h2 = h + agg2
    h2 = jnp.maximum(h2 @ W2a.T + b2a, 0.0)
    h2 = h2 @ W2b.T + b2b
    # final log_softmax over classes
    return jax.nn.log_softmax(h2, axis=1)

if __name__ == "__main__":
    import jax
    _d = setup_inputs()
    print(jax.jit(kernel)(*tuple(_d.values())))

</pallas_src>

<mosaic_0001>
#map = affine_map<(d0, d1) -> (0, 0)>
#map1 = affine_map<(d0, d1) -> (0, 0, 0)>
module attributes {stable_mosaic.version = 14 : i64} {
  func.func @_seg_sum_body(%arg0: i32, %arg1: i32, %arg2: memref<10000x128xf32, #tpu.memory_space<hbm>>, %arg3: memref<16x160x128xi32, #tpu.memory_space<hbm>>, %arg4: memref<16x160x128xi32, #tpu.memory_space<hbm>>, %arg5: memref<2x10240x128xf32, #tpu.memory_space<hbm>>, %arg6: memref<40x128xi32, #tpu.memory_space<vmem>>, %arg7: memref<40x128xi32, #tpu.memory_space<vmem>>, %arg8: memref<128xi32, #tpu.memory_space<vmem>>, %arg9: memref<128x128xf32, #tpu.memory_space<vmem>>, %arg10: memref<128x128xf32, #tpu.memory_space<vmem>>, %arg11: memref<10240x128xf32, #tpu.memory_space<vmem_shared>>, %arg12: memref<!tpu.dma_semaphore, #tpu.memory_space<semaphore_mem>>, %arg13: memref<!tpu.dma_semaphore, #tpu.memory_space<semaphore_mem>>, %arg14: memref<!tpu.dma_semaphore, #tpu.memory_space<semaphore_mem>>, %arg15: memref<!tpu.dma_semaphore, #tpu.memory_space<semaphore_mem>>) attributes {dimension_semantics = [#tpu.dimension_semantics<core_parallel>, #tpu.dimension_semantics<subcore_parallel>], iteration_bounds = array<i64: 2, 16>, scalar_prefetch = 0 : i64, scratch_operands = 10 : i64, tpu.core_type = #tpu.core_type<sc_vector_subcore>, window_params = [{transform_indices = #map}, {transform_indices = #map1}, {transform_indices = #map1}, {transform_indices = #map1}]} {
    %broadcast_in_dim3A = arith.constant 0.000000e+00 : f32
    %broadcast_in_dim3A_0 = vector.broadcast %broadcast_in_dim3A : f32 to vector<16xf32>
    %broadcast_in_dim3A_1 = arith.constant 10239 : i32
    %broadcast_in_dim3A_2 = vector.broadcast %broadcast_in_dim3A_1 : i32 to vector<16xi32>
    %scan3A = arith.constant 0 : i32
    %scan3A_3 = arith.constant 0 : i32
    %scan3A_4 = arith.constant 1024 : i32
    %scan3A_5 = arith.addi %scan3A_3, %scan3A_4 : i32
    %scan3A_6 = arith.constant 1 : i32
    %scan3A_7 = scf.for %scan3A_71 = %scan3A_3 to %scan3A_5 step %scan3A_6 iter_args(%scan3A_72 = %scan3A) -> (i32)  : i32 {
      %jit3A_73 = arith.constant 8 : i32
      %div3A = arith.divsi %scan3A_71, %jit3A_73 : i32
      %sign3A = arith.constant 0 : i32
      %sign3A_74 = arith.cmpi sgt, %scan3A_71, %sign3A : i32
      %sign3A_75 = arith.extui %sign3A_74 : i1 to i32
      %sign3A_76 = arith.constant 0 : i32
      %sign3A_77 = arith.cmpi slt, %scan3A_71, %sign3A_76 : i32
      %sign3A_78 = arith.extui %sign3A_77 : i1 to i32
      %sign3A_79 = arith.subi %sign3A_75, %sign3A_78 : i32
      %sign3A_80 = arith.constant 0 : i32
      %sign3A_81 = arith.cmpi sgt, %jit3A_73, %sign3A_80 : i32
      %sign3A_82 = arith.extui %sign3A_81 : i1 to i32
      %sign3A_83 = arith.constant 0 : i32
      %sign3A_84 = arith.cmpi slt, %jit3A_73, %sign3A_83 : i32
      %sign3A_85 = arith.extui %sign3A_84 : i1 to i32
      %sign3A_86 = arith.subi %sign3A_82, %sign3A_85 : i32
      %ne3A = arith.cmpi ne, %sign3A_79, %sign3A_86 : i32
      %rem3A = arith.remsi %scan3A_71, %jit3A_73 : i32
      %ne3A_87 = arith.constant 0 : i32
      %ne3A_88 = arith.cmpi ne, %rem3A, %ne3A_87 : i32
      %and3A = arith.andi %ne3A, %ne3A_88 : i1
      %sub3A = arith.constant 1 : i32
      %sub3A_89 = arith.subi %div3A, %sub3A : i32
      %select_n3A_90 = arith.select %and3A, %sub3A_89, %div3A : i32
      %jit3A_91 = arith.constant 8 : i32
      %eq3A_92 = arith.constant 0 : i32
      %eq3A_93 = arith.cmpi eq, %jit3A_91, %eq3A_92 : i32
      %jit3A_94 = arith.constant 1 : i32
      %select_n3A_95 = arith.select %eq3A_93, %jit3A_94, %jit3A_91 : i32
      %rem3A_96 = arith.remsi %scan3A_71, %select_n3A_95 : i32
      %ne3A_97 = arith.constant 0 : i32
      %ne3A_98 = arith.cmpi ne, %rem3A_96, %ne3A_97 : i32
      %lt3A = arith.constant 0 : i32
      %lt3A_99 = arith.cmpi slt, %rem3A_96, %lt3A : i32
      %lt3A_100 = arith.constant 0 : i32
      %lt3A_101 = arith.cmpi slt, %select_n3A_95, %lt3A_100 : i32
      %ne3A_102 = arith.xori %lt3A_99, %lt3A_101 : i1
      %and3A_103 = arith.andi %ne3A_102, %ne3A_98 : i1
      %add3A = arith.addi %rem3A_96, %select_n3A_95 : i32
      %select_n3A_104 = arith.select %and3A_103, %add3A, %rem3A_96 : i32
      %mul3A_105 = arith.constant 16 : i32
      %mul3A_106 = arith.muli %select_n3A_104, %mul3A_105 : i32
      %swap3A_107 = arith.index_cast %select_n3A_90 : i32 to index
      %swap3A_108 = arith.index_cast %mul3A_106 : i32 to index
      %swap3A_109 = tpu.vector_load %arg9[%swap3A_107, %swap3A_108] {strides = array<i32>} : memref<128x128xf32, #tpu.memory_space<vmem>>, vector<1x16xf32>,
      %swap3A_110 = vector.shape_cast %swap3A_109 : vector<1x16xf32> to vector<16xf32>
      %swap3A_111 = vector.shape_cast %broadcast_in_dim3A_0 : vector<16xf32> to vector<1x16xf32>
      tpu.vector_store %arg9[%swap3A_107, %swap3A_108], %swap3A_111 {strides = array<i32>} : memref<128x128xf32, #tpu.memory_space<vmem>>, vector<1x16xf32>,
      %scan3A_112 = arith.constant 0 : i32
      scf.yield %scan3A_112 : i32
    }
    %scan3A_8 = arith.constant 1024 : i32
    %swap3A = arith.constant 0 : index
    %swap3A_9 = tpu.vector_load %arg8[%swap3A] {strides = array<i32>} : memref<128xi32, #tpu.memory_space<vmem>>, vector<16xi32>,
    %swap3A_10 = vector.shape_cast %swap3A_9 : vector<16xi32> to vector<16xi32>
    %swap3A_11 = vector.shape_cast %broadcast_in_dim3A_2 : vector<16xi32> to vector<16xi32>
    tpu.vector_store %arg8[%swap3A], %swap3A_11 {strides = array<i32>} : memref<128xi32, #tpu.memory_space<vmem>>, vector<16xi32>,
    %swap3A_12 = arith.constant 16 : index
    %swap3A_13 = tpu.vector_load %arg8[%swap3A_12] {strides = array<i32>} : memref<128xi32, #tpu.memory_space<vmem>>, vector<16xi32>,
    %swap3A_14 = vector.shape_cast %swap3A_13 : vector<16xi32> to vector<16xi32>
    %swap3A_15 = vector.shape_cast %broadcast_in_dim3A_2 : vector<16xi32> to vector<16xi32>
    tpu.vector_store %arg8[%swap3A_12], %swap3A_15 {strides = array<i32>} : memref<128xi32, #tpu.memory_space<vmem>>, vector<16xi32>,
    %swap3A_16 = arith.constant 32 : index
    %swap3A_17 = tpu.vector_load %arg8[%swap3A_16] {strides = array<i32>} : memref<128xi32, #tpu.memory_space<vmem>>, vector<16xi32>,
    %swap3A_18 = vector.shape_cast %swap3A_17 : vector<16xi32> to vector<16xi32>
    %swap3A_19 = vector.shape_cast %broadcast_in_dim3A_2 : vector<16xi32> to vector<16xi32>
    tpu.vector_store %arg8[%swap3A_16], %swap3A_19 {strides = array<i32>} : memref<128xi32, #tpu.memory_space<vmem>>, vector<16xi32>,
    %swap3A_20 = arith.constant 48 : index
    %swap3A_21 = tpu.vector_load %arg8[%swap3A_20] {strides = array<i32>} : memref<128xi32, #tpu.memory_space<vmem>>, vector<16xi32>,
    %swap3A_22 = vector.shape_cast %swap3A_21 : vector<16xi32> to vector<16xi32>
    %swap3A_23 = vector.shape_cast %broadcast_in_dim3A_2 : vector<16xi32> to vector<16xi32>
    tpu.vector_store %arg8[%swap3A_20], %swap3A_23 {strides = array<i32>} : memref<128xi32, #tpu.memory_space<vmem>>, vector<16xi32>,
    %swap3A_24 = arith.constant 64 : index
    %swap3A_25 = tpu.vector_load %arg8[%swap3A_24] {strides = array<i32>} : memref<128xi32, #tpu.memory_space<vmem>>, vector<16xi32>,
    %swap3A_26 = vector.shape_cast %swap3A_25 : vector<16xi32> to vector<16xi32>
    %swap3A_27 = vector.shape_cast %broadcast_in_dim3A_2 : vector<16xi32> to vector<16xi32>
    tpu.vector_store %arg8[%swap3A_24], %swap3A_27 {strides = array<i32>} : memref<128xi32, #tpu.memory_space<vmem>>, vector<16xi32>,
    %swap3A_28 = arith.constant 80 : index
    %swap3A_29 = tpu.vector_load %arg8[%swap3A_28] {strides = array<i32>} : memref<128xi32, #tpu.memory_space<vmem>>, vector<16xi32>,
    %swap3A_30 = vector.shape_cast %swap3A_29 : vector<16xi32> to vector<16xi32>
    %swap3A_31 = vector.shape_cast %broadcast_in_dim3A_2 : vector<16xi32> to vector<16xi32>
    tpu.vector_store %arg8[%swap3A_28], %swap3A_31 {strides = array<i32>} : memref<128xi32, #tpu.memory_space<vmem>>, vector<16xi32>,
    %swap3A_32 = arith.constant 96 : index
    %swap3A_33 = tpu.vector_load %arg8[%swap3A_32] {strides = array<i32>} : memref<128xi32, #tpu.memory_space<vmem>>, vector<16xi32>,
    %swap3A_34 = vector.shape_cast %swap3A_33 : vector<16xi32> to vector<16xi32>
    %swap3A_35 = vector.shape_cast %broadcast_in_dim3A_2 : vector<16xi32> to vector<16xi32>
    tpu.vector_store %arg8[%swap3A_32], %swap3A_35 {strides = array<i32>} : memref<128xi32, #tpu.memory_space<vmem>>, vector<16xi32>,
    %swap3A_36 = arith.constant 112 : index
    %swap3A_37 = tpu.vector_load %arg8[%swap3A_36] {strides = array<i32>} : memref<128xi32, #tpu.memory_space<vmem>>, vector<16xi32>,
    %swap3A_38 = vector.shape_cast %swap3A_37 : vector<16xi32> to vector<16xi32>
    %swap3A_39 = vector.shape_cast %broadcast_in_dim3A_2 : vector<16xi32> to vector<16xi32>
    tpu.vector_store %arg8[%swap3A_36], %swap3A_39 {strides = array<i32>} : memref<128xi32, #tpu.memory_space<vmem>>, vector<16xi32>,
    "tpu.trace_start"() <{level = 10 : i32, message = "ph_zero"}> : () -> ()
    %scan3A_40 = arith.constant 0 : i32
    %scan3A_41 = arith.constant 0 : i32
    %scan3A_42 = arith.constant 5 : i32
    %scan3A_43 = arith.addi %scan3A_41, %scan3A_42 : i32
    %scan3A_44 = arith.constant 1 : i32
    %scan3A_45 = scf.for %scan3A_71 = %scan3A_41 to %scan3A_43 step %scan3A_44 iter_args(%scan3A_72 = %scan3A_40) -> (i32)  : i32 {
      %mul3A_73 = arith.constant 640 : i32
      %mul3A_74 = arith.muli %arg1, %mul3A_73 : i32
      %mul3A_75 = arith.constant 128 : i32
      %mul3A_76 = arith.muli %scan3A_71, %mul3A_75 : i32
      %add3A = arith.addi %mul3A_74, %mul3A_76 : i32
      "tpu.region"() ({
        %run_scoped3A = tpu.sem_alloc : memref<!tpu.dma_semaphore, #tpu.memory_space<semaphore_mem>>
        %dma_start3A = arith.constant 0 : i32
        %dma_start3A_78 = tpu.memref_slice %arg11[%add3A, %dma_start3A] : memref<10240x128xf32, #tpu.memory_space<vmem_shared>> -> memref<128x128xf32, #tpu.memory_space<vmem_shared>>
        %dma_start3A_79 = arith.constant 0 : i32
        %dma_start3A_80 = tpu.memref_slice %arg11[%add3A, %dma_start3A_79] : memref<10240x128xf32, #tpu.memory_space<vmem_shared>> -> memref<128x128xf32, #tpu.memory_space<vmem_shared>>
        tpu.enqueue_dma source(%arg9 : memref<128x128xf32, #tpu.memory_space<vmem>>) target(%dma_start3A_80 : memref<128x128xf32, #tpu.memory_space<vmem_shared>>) target_semaphore(%run_scoped3A : memref<!tpu.dma_semaphore, #tpu.memory_space<semaphore_mem>>)
        %dma_wait3A = arith.constant 0 : i32
        %dma_wait3A_81 = tpu.memref_slice %arg11[%add3A, %dma_wait3A] : memref<10240x128xf32, #tpu.memory_space<vmem_shared>> -> memref<128x128xf32, #tpu.memory_space<vmem_shared>>
        %dma_wait3A_82 = arith.constant 0 : i32
        %dma_wait3A_83 = tpu.memref_slice %arg11[%add3A, %dma_wait3A_82] : memref<10240x128xf32, #tpu.memory_space<vmem_shared>> -> memref<128x128xf32, #tpu.memory_space<vmem_shared>>
        tpu.wait_dma2 semaphore(%run_scoped3A : memref<!tpu.dma_semaphore, #tpu.memory_space<semaphore_mem>>) src(%arg9 : memref<128x128xf32, #tpu.memory_space<vmem>>) dst(%dma_wait3A_83 : memref<128x128xf32, #tpu.memory_space<vmem_shared>>)
        tpu.yield
      }) : () -> ()
      %scan3A_77 = arith.constant 0 : i32
      scf.yield %scan3A_77 : i32
    }
    %scan3A_46 = arith.constant 5 : i32
    %barrier3A = arith.constant 0 : index
    tpu.barrier barrier_id(%barrier3A)
    %eq3A = arith.constant 0 : i32
    "tpu.trace_stop"() : () -> ()
    %eq3A_47 = arith.cmpi eq, %arg0, %eq3A : i32
    %jit3A = arith.constant 0 : i32
    %jit3A_48 = arith.constant 120 : i32
    %select_n3A = arith.select %eq3A_47, %jit3A, %jit3A_48 : i32
    %eq3A_49 = arith.constant 0 : i32
    "tpu.trace_start"() <{level = 10 : i32, message = "ph_edges"}> : () -> ()
    %eq3A_50 = arith.cmpi eq, %arg0, %eq3A_49 : i32
    %or3A = arith.constant true
    %or3A_51 = arith.ori %eq3A_50, %or3A : i1
    %convert_element_type3A = arith.extui %or3A_51 : i1 to i32
    %cond3A = arith.constant 0 : i32
    %cond3A_52 = arith.cmpi ne, %convert_element_type3A, %cond3A : i32
    scf.if %cond3A_52 {
      %add3A = arith.constant 0 : i32
      %add3A_71 = arith.addi %select_n3A, %add3A : i32
      "tpu.region"() ({
        %run_scoped3A = tpu.sem_alloc : memref<!tpu.dma_semaphore, #tpu.memory_space<semaphore_mem>>
        %dma_start3A_89 = arith.constant 0 : i32
        %dma_start3A_90 = tpu.memref_slice %arg3[%arg1, %add3A_71, %dma_start3A_89] : memref<16x160x128xi32, #tpu.memory_space<hbm>> -> memref<1x40x128xi32, #tpu.memory_space<hbm>>
        %dma_start3A_91 = tpu.memref_squeeze %dma_start3A_90 : memref<1x40x128xi32, #tpu.memory_space<hbm>> -> memref<40x128xi32, #tpu.memory_space<hbm>>
        %dma_start3A_92 = arith.constant 0 : i32
        %dma_start3A_93 = tpu.memref_slice %arg3[%arg1, %add3A_71, %dma_start3A_92] : memref<16x160x128xi32, #tpu.memory_space<hbm>> -> memref<1x40x128xi32, #tpu.memory_space<hbm>>
        %dma_start3A_94 = tpu.memref_squeeze %dma_start3A_93 : memref<1x40x128xi32, #tpu.memory_space<hbm>> -> memref<40x128xi32, #tpu.memory_space<hbm>>
        tpu.enqueue_dma source(%dma_start3A_94 : memref<40x128xi32, #tpu.memory_space<hbm>>) target(%arg6 : memref<40x128xi32, #tpu.memory_space<vmem>>) target_semaphore(%run_scoped3A : memref<!tpu.dma_semaphore, #tpu.memory_space<semaphore_mem>>)
        %dma_wait3A_95 = arith.constant 0 : i32
        %dma_wait3A_96 = tpu.memref_slice %arg3[%arg1, %add3A_71, %dma_wait3A_95] : memref<16x160x128xi32, #tpu.memory_space<hbm>> -> memref<1x40x128xi32, #tpu.memory_space<hbm>>
        %dma_wait3A_97 = tpu.memref_squeeze %dma_wait3A_96 : memref<1x40x128xi32, #tpu.memory_space<hbm>> -> memref<40x128xi32, #tpu.memory_space<hbm>>
        %dma_wait3A_98 = arith.constant 0 : i32
        %dma_wait3A_99 = tpu.memref_slice %arg3[%arg1, %add3A_71, %dma_wait3A_98] : memref<16x160x128xi32, #tpu.memory_space<hbm>> -> memref<1x40x128xi32, #tpu.memory_space<hbm>>
        %dma_wait3A_100 = tpu.memref_squeeze %dma_wait3A_99 : memref<1x40x128xi32, #tpu.memory_space<hbm>> -> memref<40x128xi32, #tpu.memory_space<hbm>>
        tpu.wait_dma2 semaphore(%run_scoped3A : memref<!tpu.dma_semaphore, #tpu.memory_space<semaphore_mem>>) src(%dma_wait3A_100 : memref<40x128xi32, #tpu.memory_space<hbm>>) dst(%arg6 : memref<40x128xi32, #tpu.memory_space<vmem>>)
        tpu.yield
      }) : () -> ()
      "tpu.region"() ({
        %run_scoped3A = tpu.sem_alloc : memref<!tpu.dma_semaphore, #tpu.memory_space<semaphore_mem>>
        %dma_start3A_89 = arith.constant 0 : i32
        %dma_start3A_90 = tpu.memref_slice %arg4[%arg1, %add3A_71, %dma_start3A_89] : memref<16x160x128xi32, #tpu.memory_space<hbm>> -> memref<1x40x128xi32, #tpu.memory_space<hbm>>
        %dma_start3A_91 = tpu.memref_squeeze %dma_start3A_90 : memref<1x40x128xi32, #tpu.memory_space<hbm>> -> memref<40x128xi32, #tpu.memory_space<hbm>>
        %dma_start3A_92 = arith.constant 0 : i32
        %dma_start3A_93 = tpu.memref_slice %arg4[%arg1, %add3A_71, %dma_start3A_92] : memref<16x160x128xi32, #tpu.memory_space<hbm>> -> memref<1x40x128xi32, #tpu.memory_space<hbm>>
        %dma_start3A_94 = tpu.memref_squeeze %dma_start3A_93 : memref<1x40x128xi32, #tpu.memory_space<hbm>> -> memref<40x128xi32, #tpu.memory_space<hbm>>
        tpu.enqueue_dma source(%dma_start3A_94 : memref<40x128xi32, #tpu.memory_space<hbm>>) target(%arg7 : memref<40x128xi32, #tpu.memory_space<vmem>>) target_semaphore(%run_scoped3A : memref<!tpu.dma_semaphore, #tpu.memory_space<semaphore_mem>>)
        %dma_wait3A_95 = arith.constant 0 : i32
        %dma_wait3A_96 = tpu.memref_slice %arg4[%arg1, %add3A_71, %dma_wait3A_95] : memref<16x160x128xi32, #tpu.memory_space<hbm>> -> memref<1x40x128xi32, #tpu.memory_space<hbm>>
        %dma_wait3A_97 = tpu.memref_squeeze %dma_wait3A_96 : memref<1x40x128xi32, #tpu.memory_space<hbm>> -> memref<40x128xi32, #tpu.memory_space<hbm>>
        %dma_wait3A_98 = arith.constant 0 : i32
        %dma_wait3A_99 = tpu.memref_slice %arg4[%arg1, %add3A_71, %dma_wait3A_98] : memref<16x160x128xi32, #tpu.memory_space<hbm>> -> memref<1x40x128xi32, #tpu.memory_space<hbm>>
        %dma_wait3A_100 = tpu.memref_squeeze %dma_wait3A_99 : memref<1x40x128xi32, #tpu.memory_space<hbm>> -> memref<40x128xi32, #tpu.memory_space<hbm>>
        tpu.wait_dma2 semaphore(%run_scoped3A : memref<!tpu.dma_semaphore, #tpu.memory_space<semaphore_mem>>) src(%dma_wait3A_100 : memref<40x128xi32, #tpu.memory_space<hbm>>) dst(%arg7 : memref<40x128xi32, #tpu.memory_space<vmem>>)
        tpu.yield
      }) : () -> ()
      %dma_start3A = arith.constant 0 : i32
      %dma_start3A_72 = arith.constant 0 : i32
      %dma_start3A_73 = tpu.memref_slice %arg11[%dma_start3A, %dma_start3A_72] : memref<10240x128xf32, #tpu.memory_space<vmem_shared>> -> memref<10240x128xf32, #tpu.memory_space<vmem_shared>>
      tpu.enqueue_indirect_dma source(%arg9 : memref<128x128xf32, #tpu.memory_space<vmem>>) target(%dma_start3A_73 : memref<10240x128xf32, #tpu.memory_space<vmem_shared>>) offsets(%arg8 : memref<128xi32, #tpu.memory_space<vmem>>) semaphore(%arg14 : memref<!tpu.dma_semaphore, #tpu.memory_space<semaphore_mem>>) {add = true}
      %dma_start3A_74 = arith.constant 0 : i32
      %dma_start3A_75 = arith.constant 0 : i32
      %dma_start3A_76 = tpu.memref_slice %arg11[%dma_start3A_74, %dma_start3A_75] : memref<10240x128xf32, #tpu.memory_space<vmem_shared>> -> memref<10240x128xf32, #tpu.memory_space<vmem_shared>>
      tpu.enqueue_indirect_dma source(%arg10 : memref<128x128xf32, #tpu.memory_space<vmem>>) target(%dma_start3A_76 : memref<10240x128xf32, #tpu.memory_space<vmem_shared>>) offsets(%arg8 : memref<128xi32, #tpu.memory_space<vmem>>) semaphore(%arg15 : memref<!tpu.dma_semaphore, #tpu.memory_space<semaphore_mem>>) {add = true}
      %scan3A_77 = arith.constant 0 : i32
      %scan3A_78 = arith.constant 0 : i32
      %scan3A_79 = arith.constant 20 : i32
      %scan3A_80 = arith.addi %scan3A_78, %scan3A_79 : i32
      %scan3A_81 = arith.constant 1 : i32
      %scan3A_82 = scf.for %scan3A_89 = %scan3A_78 to %scan3A_80 step %scan3A_81 iter_args(%scan3A_90 = %scan3A_77) -> (i32)  : i32 {
        %mul3A_91 = arith.constant 2 : i32
        %mul3A_92 = arith.muli %mul3A_91, %scan3A_89 : i32
        %add3A_93 = arith.constant 1 : i32
        %add3A_94 = arith.addi %mul3A_92, %add3A_93 : i32
        %dma_wait3A_95 = arith.constant 0 : i32
        %dma_wait3A_96 = arith.constant 0 : i32
        %dma_wait3A_97 = tpu.memref_slice %arg2[%dma_wait3A_95, %dma_wait3A_96] : memref<10000x128xf32, #tpu.memory_space<hbm>> -> memref<10000x128xf32, #tpu.memory_space<hbm>>
        tpu.wait_indirect_dma semaphore(%arg14 : memref<!tpu.dma_semaphore, #tpu.memory_space<semaphore_mem>>) src(%dma_wait3A_97 : memref<10000x128xf32, #tpu.memory_space<hbm>>) dst(%arg9 : memref<128x128xf32, #tpu.memory_space<vmem>>)
        %dma_start3A_98 = arith.constant 0 : i32
        %dma_start3A_99 = tpu.memref_slice %arg6[%mul3A_92, %dma_start3A_98] : memref<40x128xi32, #tpu.memory_space<vmem>> -> memref<1x128xi32, #tpu.memory_space<vmem>>
        %dma_start3A_100 = tpu.memref_squeeze %dma_start3A_99 : memref<1x128xi32, #tpu.memory_space<vmem>> -> memref<128xi32, #tpu.memory_space<vmem>>
        %dma_start3A_101 = arith.constant 0 : i32
        %dma_start3A_102 = arith.constant 0 : i32
        %dma_start3A_103 = tpu.memref_slice %arg2[%dma_start3A_101, %dma_start3A_102] : memref<10000x128xf32, #tpu.memory_space<hbm>> -> memref<10000x128xf32, #tpu.memory_space<hbm>>
        tpu.enqueue_indirect_dma source(%dma_start3A_103 : memref<10000x128xf32, #tpu.memory_space<hbm>>) target(%arg9 : memref<128x128xf32, #tpu.memory_space<vmem>>) offsets(%dma_start3A_100 : memref<128xi32, #tpu.memory_space<vmem>>) semaphore(%arg12 : memref<!tpu.dma_semaphore, #tpu.memory_space<semaphore_mem>>)
        %dma_wait3A_104 = arith.constant 0 : i32
        %dma_wait3A_105 = arith.constant 0 : i32
        %dma_wait3A_106 = tpu.memref_slice %arg2[%dma_wait3A_104, %dma_wait3A_105] : memref<10000x128xf32, #tpu.memory_space<hbm>> -> memref<10000x128xf32, #tpu.memory_space<hbm>>
        tpu.wait_indirect_dma semaphore(%arg15 : memref<!tpu.dma_semaphore, #tpu.memory_space<semaphore_mem>>) src(%dma_wait3A_106 : memref<10000x128xf32, #tpu.memory_space<hbm>>) dst(%arg10 : memref<128x128xf32, #tpu.memory_space<vmem>>)
        %dma_start3A_107 = arith.constant 0 : i32
        %dma_start3A_108 = tpu.memref_slice %arg6[%add3A_94, %dma_start3A_107] : memref<40x128xi32, #tpu.memory_space<vmem>> -> memref<1x128xi32, #tpu.memory_space<vmem>>
        %dma_start3A_109 = tpu.memref_squeeze %dma_start3A_108 : memref<1x128xi32, #tpu.memory_space<vmem>> -> memref<128xi32, #tpu.memory_space<vmem>>
        %dma_start3A_110 = arith.constant 0 : i32
        %dma_start3A_111 = arith.constant 0 : i32
        %dma_start3A_112 = tpu.memref_slice %arg2[%dma_start3A_110, %dma_start3A_111] : memref<10000x128xf32, #tpu.memory_space<hbm>> -> memref<10000x128xf32, #tpu.memory_space<hbm>>
        tpu.enqueue_indirect_dma source(%dma_start3A_112 : memref<10000x128xf32, #tpu.memory_space<hbm>>) target(%arg10 : memref<128x128xf32, #tpu.memory_space<vmem>>) offsets(%dma_start3A_109 : memref<128xi32, #tpu.memory_space<vmem>>) semaphore(%arg13 : memref<!tpu.dma_semaphore, #tpu.memory_space<semaphore_mem>>)
        %dma_wait3A_113 = arith.constant 0 : i32
        %dma_wait3A_114 = arith.constant 0 : i32
        %dma_wait3A_115 = tpu.memref_slice %arg2[%dma_wait3A_113, %dma_wait3A_114] : memref<10000x128xf32, #tpu.memory_space<hbm>> -> memref<10000x128xf32, #tpu.memory_space<hbm>>
        tpu.wait_indirect_dma semaphore(%arg12 : memref<!tpu.dma_semaphore, #tpu.memory_space<semaphore_mem>>) src(%dma_wait3A_115 : memref<10000x128xf32, #tpu.memory_space<hbm>>) dst(%arg9 : memref<128x128xf32, #tpu.memory_space<vmem>>)
        %dma_start3A_116 = arith.constant 0 : i32
        %dma_start3A_117 = tpu.memref_slice %arg7[%mul3A_92, %dma_start3A_116] : memref<40x128xi32, #tpu.memory_space<vmem>> -> memref<1x128xi32, #tpu.memory_space<vmem>>
        %dma_start3A_118 = tpu.memref_squeeze %dma_start3A_117 : memref<1x128xi32, #tpu.memory_space<vmem>> -> memref<128xi32, #tpu.memory_space<vmem>>
        %dma_start3A_119 = arith.constant 0 : i32
        %dma_start3A_120 = arith.constant 0 : i32
        %dma_start3A_121 = tpu.memref_slice %arg11[%dma_start3A_119, %dma_start3A_120] : memref<10240x128xf32, #tpu.memory_space<vmem_shared>> -> memref<10240x128xf32, #tpu.memory_space<vmem_shared>>
        tpu.enqueue_indirect_dma source(%arg9 : memref<128x128xf32, #tpu.memory_space<vmem>>) target(%dma_start3A_121 : memref<10240x128xf32, #tpu.memory_space<vmem_shared>>) offsets(%dma_start3A_118 : memref<128xi32, #tpu.memory_space<vmem>>) semaphore(%arg14 : memref<!tpu.dma_semaphore, #tpu.memory_space<semaphore_mem>>) {add = true}
        %dma_wait3A_122 = arith.constant 0 : i32
        %dma_wait3A_123 = arith.constant 0 : i32
        %dma_wait3A_124 = tpu.memref_slice %arg2[%dma_wait3A_122, %dma_wait3A_123] : memref<10000x128xf32, #tpu.memory_space<hbm>> -> memref<10000x128xf32, #tpu.memory_space<hbm>>
        tpu.wait_indirect_dma semaphore(%arg13 : memref<!tpu.dma_semaphore, #tpu.memory_space<semaphore_mem>>) src(%dma_wait3A_124 : memref<10000x128xf32, #tpu.memory_space<hbm>>) dst(%arg10 : memref<128x128xf32, #tpu.memory_space<vmem>>)
        %dma_start3A_125 = arith.constant 0 : i32
        %dma_start3A_126 = tpu.memref_slice %arg7[%add3A_94, %dma_start3A_125] : memref<40x128xi32, #tpu.memory_space<vmem>> -> memref<1x128xi32, #tpu.memory_space<vmem>>
        %dma_start3A_127 = tpu.memref_squeeze %dma_start3A_126 : memref<1x128xi32, #tpu.memory_space<vmem>> -> memref<128xi32, #tpu.memory_space<vmem>>
        %dma_start3A_128 = arith.constant 0 : i32
        %dma_start3A_129 = arith.constant 0 : i32
        %dma_start3A_130 = tpu.memref_slice %arg11[%dma_start3A_128, %dma_start3A_129] : memref<10240x128xf32, #tpu.memory_space<vmem_shared>> -> memref<10240x128xf32, #tpu.memory_space<vmem_shared>>
        tpu.enqueue_indirect_dma source(%arg10 : memref<128x128xf32, #tpu.memory_space<vmem>>) target(%dma_start3A_130 : memref<10240x128xf32, #tpu.memory_space<vmem_shared>>) offsets(%dma_start3A_127 : memref<128xi32, #tpu.memory_space<vmem>>) semaphore(%arg15 : memref<!tpu.dma_semaphore, #tpu.memory_space<semaphore_mem>>) {add = true}
        %scan3A_131 = arith.constant 0 : i32
        scf.yield %scan3A_131 : i32
      }
      %scan3A_83 = arith.constant 20 : i32
      %dma_wait3A = arith.constant 0 : i32
      %dma_wait3A_84 = arith.constant 0 : i32
      %dma_wait3A_85 = tpu.memref_slice %arg2[%dma_wait3A, %dma_wait3A_84] : memref<10000x128xf32, #tpu.memory_space<hbm>> -> memref<10000x128xf32, #tpu.memory_space<hbm>>
      tpu.wait_indirect_dma semaphore(%arg14 : memref<!tpu.dma_semaphore, #tpu.memory_space<semaphore_mem>>) src(%dma_wait3A_85 : memref<10000x128xf32, #tpu.memory_space<hbm>>) dst(%arg9 : memref<128x128xf32, #tpu.memory_space<vmem>>)
      %dma_wait3A_86 = arith.constant 0 : i32
      %dma_wait3A_87 = arith.constant 0 : i32
      %dma_wait3A_88 = tpu.memref_slice %arg2[%dma_wait3A_86, %dma_wait3A_87] : memref<10000x128xf32, #tpu.memory_space<hbm>> -> memref<10000x128xf32, #tpu.memory_space<hbm>>
      tpu.wait_indirect_dma semaphore(%arg15 : memref<!tpu.dma_semaphore, #tpu.memory_space<semaphore_mem>>) src(%dma_wait3A_88 : memref<10000x128xf32, #tpu.memory_space<hbm>>) dst(%arg10 : memref<128x128xf32, #tpu.memory_space<vmem>>)
    } else {
    }
    %eq3A_53 = arith.constant 0 : i32
    %eq3A_54 = arith.cmpi eq, %arg0, %eq3A_53 : i32
    %or3A_55 = arith.constant false
    %or3A_56 = arith.ori %eq3A_54, %or3A_55 : i1
    %convert_element_type3A_57 = arith.extui %or3A_56 : i1 to i32
    %cond3A_58 = arith.constant 0 : i32
    %cond3A_59 = arith.cmpi ne, %convert_element_type3A_57, %cond3A_58 : i32
    scf.if %cond3A_59 {
      %add3A = arith.constant 40 : i32
      %add3A_71 = arith.addi %select_n3A, %add3A : i32
      "tpu.region"() ({
        %run_scoped3A = tpu.sem_alloc : memref<!tpu.dma_semaphore, #tpu.memory_space<semaphore_mem>>
        %dma_start3A_89 = arith.constant 0 : i32
        %dma_start3A_90 = tpu.memref_slice %arg3[%arg1, %add3A_71, %dma_start3A_89] : memref<16x160x128xi32, #tpu.memory_space<hbm>> -> memref<1x40x128xi32, #tpu.memory_space<hbm>>
        %dma_start3A_91 = tpu.memref_squeeze %dma_start3A_90 : memref<1x40x128xi32, #tpu.memory_space<hbm>> -> memref<40x128xi32, #tpu.memory_space<hbm>>
        %dma_start3A_92 = arith.constant 0 : i32
        %dma_start3A_93 = tpu.memref_slice %arg3[%arg1, %add3A_71, %dma_start3A_92] : memref<16x160x128xi32, #tpu.memory_space<hbm>> -> memref<1x40x128xi32, #tpu.memory_space<hbm>>
        %dma_start3A_94 = tpu.memref_squeeze %dma_start3A_93 : memref<1x40x128xi32, #tpu.memory_space<hbm>> -> memref<40x128xi32, #tpu.memory_space<hbm>>
        tpu.enqueue_dma source(%dma_start3A_94 : memref<40x128xi32, #tpu.memory_space<hbm>>) target(%arg6 : memref<40x128xi32, #tpu.memory_space<vmem>>) target_semaphore(%run_scoped3A : memref<!tpu.dma_semaphore, #tpu.memory_space<semaphore_mem>>)
        %dma_wait3A_95 = arith.constant 0 : i32
        %dma_wait3A_96 = tpu.memref_slice %arg3[%arg1, %add3A_71, %dma_wait3A_95] : memref<16x160x128xi32, #tpu.memory_space<hbm>> -> memref<1x40x128xi32, #tpu.memory_space<hbm>>
        %dma_wait3A_97 = tpu.memref_squeeze %dma_wait3A_96 : memref<1x40x128xi32, #tpu.memory_space<hbm>> -> memref<40x128xi32, #tpu.memory_space<hbm>>
        %dma_wait3A_98 = arith.constant 0 : i32
        %dma_wait3A_99 = tpu.memref_slice %arg3[%arg1, %add3A_71, %dma_wait3A_98] : memref<16x160x128xi32, #tpu.memory_space<hbm>> -> memref<1x40x128xi32, #tpu.memory_space<hbm>>
        %dma_wait3A_100 = tpu.memref_squeeze %dma_wait3A_99 : memref<1x40x128xi32, #tpu.memory_space<hbm>> -> memref<40x128xi32, #tpu.memory_space<hbm>>
        tpu.wait_dma2 semaphore(%run_scoped3A : memref<!tpu.dma_semaphore, #tpu.memory_space<semaphore_mem>>) src(%dma_wait3A_100 : memref<40x128xi32, #tpu.memory_space<hbm>>) dst(%arg6 : memref<40x128xi32, #tpu.memory_space<vmem>>)
        tpu.yield
      }) : () -> ()
      "tpu.region"() ({
        %run_scoped3A = tpu.sem_alloc : memref<!tpu.dma_semaphore, #tpu.memory_space<semaphore_mem>>
        %dma_start3A_89 = arith.constant 0 : i32
        %dma_start3A_90 = tpu.memref_slice %arg4[%arg1, %add3A_71, %dma_start3A_89] : memref<16x160x128xi32, #tpu.memory_space<hbm>> -> memref<1x40x128xi32, #tpu.memory_space<hbm>>
        %dma_start3A_91 = tpu.memref_squeeze %dma_start3A_90 : memref<1x40x128xi32, #tpu.memory_space<hbm>> -> memref<40x128xi32, #tpu.memory_space<hbm>>
        %dma_start3A_92 = arith.constant 0 : i32
        %dma_start3A_93 = tpu.memref_slice %arg4[%arg1, %add3A_71, %dma_start3A_92] : memref<16x160x128xi32, #tpu.memory_space<hbm>> -> memref<1x40x128xi32, #tpu.memory_space<hbm>>
        %dma_start3A_94 = tpu.memref_squeeze %dma_start3A_93 : memref<1x40x128xi32, #tpu.memory_space<hbm>> -> memref<40x128xi32, #tpu.memory_space<hbm>>
        tpu.enqueue_dma source(%dma_start3A_94 : memref<40x128xi32, #tpu.memory_space<hbm>>) target(%arg7 : memref<40x128xi32, #tpu.memory_space<vmem>>) target_semaphore(%run_scoped3A : memref<!tpu.dma_semaphore, #tpu.memory_space<semaphore_mem>>)
        %dma_wait3A_95 = arith.constant 0 : i32
        %dma_wait3A_96 = tpu.memref_slice %arg4[%arg1, %add3A_71, %dma_wait3A_95] : memref<16x160x128xi32, #tpu.memory_space<hbm>> -> memref<1x40x128xi32, #tpu.memory_space<hbm>>
        %dma_wait3A_97 = tpu.memref_squeeze %dma_wait3A_96 : memref<1x40x128xi32, #tpu.memory_space<hbm>> -> memref<40x128xi32, #tpu.memory_space<hbm>>
        %dma_wait3A_98 = arith.constant 0 : i32
        %dma_wait3A_99 = tpu.memref_slice %arg4[%arg1, %add3A_71, %dma_wait3A_98] : memref<16x160x128xi32, #tpu.memory_space<hbm>> -> memref<1x40x128xi32, #tpu.memory_space<hbm>>
        %dma_wait3A_100 = tpu.memref_squeeze %dma_wait3A_99 : memref<1x40x128xi32, #tpu.memory_space<hbm>> -> memref<40x128xi32, #tpu.memory_space<hbm>>
        tpu.wait_dma2 semaphore(%run_scoped3A : memref<!tpu.dma_semaphore, #tpu.memory_space<semaphore_mem>>) src(%dma_wait3A_100 : memref<40x128xi32, #tpu.memory_space<hbm>>) dst(%arg7 : memref<40x128xi32, #tpu.memory_space<vmem>>)
        tpu.yield
      }) : () -> ()
      %dma_start3A = arith.constant 0 : i32
      %dma_start3A_72 = arith.constant 0 : i32
      %dma_start3A_73 = tpu.memref_slice %arg11[%dma_start3A, %dma_start3A_72] : memref<10240x128xf32, #tpu.memory_space<vmem_shared>> -> memref<10240x128xf32, #tpu.memory_space<vmem_shared>>
      tpu.enqueue_indirect_dma source(%arg9 : memref<128x128xf32, #tpu.memory_space<vmem>>) target(%dma_start3A_73 : memref<10240x128xf32, #tpu.memory_space<vmem_shared>>) offsets(%arg8 : memref<128xi32, #tpu.memory_space<vmem>>) semaphore(%arg14 : memref<!tpu.dma_semaphore, #tpu.memory_space<semaphore_mem>>) {add = true}
      %dma_start3A_74 = arith.constant 0 : i32
      %dma_start3A_75 = arith.constant 0 : i32
      %dma_start3A_76 = tpu.memref_slice %arg11[%dma_start3A_74, %dma_start3A_75] : memref<10240x128xf32, #tpu.memory_space<vmem_shared>> -> memref<10240x128xf32, #tpu.memory_space<vmem_shared>>
      tpu.enqueue_indirect_dma source(%arg10 : memref<128x128xf32, #tpu.memory_space<vmem>>) target(%dma_start3A_76 : memref<10240x128xf32, #tpu.memory_space<vmem_shared>>) offsets(%arg8 : memref<128xi32, #tpu.memory_space<vmem>>) semaphore(%arg15 : memref<!tpu.dma_semaphore, #tpu.memory_space<semaphore_mem>>) {add = true}
      %scan3A_77 = arith.constant 0 : i32
      %scan3A_78 = arith.constant 0 : i32
      %scan3A_79 = arith.constant 20 : i32
      %scan3A_80 = arith.addi %scan3A_78, %scan3A_79 : i32
      %scan3A_81 = arith.constant 1 : i32
      %scan3A_82 = scf.for %scan3A_89 = %scan3A_78 to %scan3A_80 step %scan3A_81 iter_args(%scan3A_90 = %scan3A_77) -> (i32)  : i32 {
        %mul3A_91 = arith.constant 2 : i32
        %mul3A_92 = arith.muli %mul3A_91, %scan3A_89 : i32
        %add3A_93 = arith.constant 1 : i32
        %add3A_94 = arith.addi %mul3A_92, %add3A_93 : i32
        %dma_wait3A_95 = arith.constant 0 : i32
        %dma_wait3A_96 = arith.constant 0 : i32
        %dma_wait3A_97 = tpu.memref_slice %arg2[%dma_wait3A_95, %dma_wait3A_96] : memref<10000x128xf32, #tpu.memory_space<hbm>> -> memref<10000x128xf32, #tpu.memory_space<hbm>>
        tpu.wait_indirect_dma semaphore(%arg14 : memref<!tpu.dma_semaphore, #tpu.memory_space<semaphore_mem>>) src(%dma_wait3A_97 : memref<10000x128xf32, #tpu.memory_space<hbm>>) dst(%arg9 : memref<128x128xf32, #tpu.memory_space<vmem>>)
        %dma_start3A_98 = arith.constant 0 : i32
        %dma_start3A_99 = tpu.memref_slice %arg6[%mul3A_92, %dma_start3A_98] : memref<40x128xi32, #tpu.memory_space<vmem>> -> memref<1x128xi32, #tpu.memory_space<vmem>>
        %dma_start3A_100 = tpu.memref_squeeze %dma_start3A_99 : memref<1x128xi32, #tpu.memory_space<vmem>> -> memref<128xi32, #tpu.memory_space<vmem>>
        %dma_start3A_101 = arith.constant 0 : i32
        %dma_start3A_102 = arith.constant 0 : i32
        %dma_start3A_103 = tpu.memref_slice %arg2[%dma_start3A_101, %dma_start3A_102] : memref<10000x128xf32, #tpu.memory_space<hbm>> -> memref<10000x128xf32, #tpu.memory_space<hbm>>
        tpu.enqueue_indirect_dma source(%dma_start3A_103 : memref<10000x128xf32, #tpu.memory_space<hbm>>) target(%arg9 : memref<128x128xf32, #tpu.memory_space<vmem>>) offsets(%dma_start3A_100 : memref<128xi32, #tpu.memory_space<vmem>>) semaphore(%arg12 : memref<!tpu.dma_semaphore, #tpu.memory_space<semaphore_mem>>)
        %dma_wait3A_104 = arith.constant 0 : i32
        %dma_wait3A_105 = arith.constant 0 : i32
        %dma_wait3A_106 = tpu.memref_slice %arg2[%dma_wait3A_104, %dma_wait3A_105] : memref<10000x128xf32, #tpu.memory_space<hbm>> -> memref<10000x128xf32, #tpu.memory_space<hbm>>
        tpu.wait_indirect_dma semaphore(%arg15 : memref<!tpu.dma_semaphore, #tpu.memory_space<semaphore_mem>>) src(%dma_wait3A_106 : memref<10000x128xf32, #tpu.memory_space<hbm>>) dst(%arg10 : memref<128x128xf32, #tpu.memory_space<vmem>>)
        %dma_start3A_107 = arith.constant 0 : i32
        %dma_start3A_108 = tpu.memref_slice %arg6[%add3A_94, %dma_start3A_107] : memref<40x128xi32, #tpu.memory_space<vmem>> -> memref<1x128xi32, #tpu.memory_space<vmem>>
        %dma_start3A_109 = tpu.memref_squeeze %dma_start3A_108 : memref<1x128xi32, #tpu.memory_space<vmem>> -> memref<128xi32, #tpu.memory_space<vmem>>
        %dma_start3A_110 = arith.constant 0 : i32
        %dma_start3A_111 = arith.constant 0 : i32
        %dma_start3A_112 = tpu.memref_slice %arg2[%dma_start3A_110, %dma_start3A_111] : memref<10000x128xf32, #tpu.memory_space<hbm>> -> memref<10000x128xf32, #tpu.memory_space<hbm>>
        tpu.enqueue_indirect_dma source(%dma_start3A_112 : memref<10000x128xf32, #tpu.memory_space<hbm>>) target(%arg10 : memref<128x128xf32, #tpu.memory_space<vmem>>) offsets(%dma_start3A_109 : memref<128xi32, #tpu.memory_space<vmem>>) semaphore(%arg13 : memref<!tpu.dma_semaphore, #tpu.memory_space<semaphore_mem>>)
        %dma_wait3A_113 = arith.constant 0 : i32
        %dma_wait3A_114 = arith.constant 0 : i32
        %dma_wait3A_115 = tpu.memref_slice %arg2[%dma_wait3A_113, %dma_wait3A_114] : memref<10000x128xf32, #tpu.memory_space<hbm>> -> memref<10000x128xf32, #tpu.memory_space<hbm>>
        tpu.wait_indirect_dma semaphore(%arg12 : memref<!tpu.dma_semaphore, #tpu.memory_space<semaphore_mem>>) src(%dma_wait3A_115 : memref<10000x128xf32, #tpu.memory_space<hbm>>) dst(%arg9 : memref<128x128xf32, #tpu.memory_space<vmem>>)
        %dma_start3A_116 = arith.constant 0 : i32
        %dma_start3A_117 = tpu.memref_slice %arg7[%mul3A_92, %dma_start3A_116] : memref<40x128xi32, #tpu.memory_space<vmem>> -> memref<1x128xi32, #tpu.memory_space<vmem>>
        %dma_start3A_118 = tpu.memref_squeeze %dma_start3A_117 : memref<1x128xi32, #tpu.memory_space<vmem>> -> memref<128xi32, #tpu.memory_space<vmem>>
        %dma_start3A_119 = arith.constant 0 : i32
        %dma_start3A_120 = arith.constant 0 : i32
        %dma_start3A_121 = tpu.memref_slice %arg11[%dma_start3A_119, %dma_start3A_120] : memref<10240x128xf32, #tpu.memory_space<vmem_shared>> -> memref<10240x128xf32, #tpu.memory_space<vmem_shared>>
        tpu.enqueue_indirect_dma source(%arg9 : memref<128x128xf32, #tpu.memory_space<vmem>>) target(%dma_start3A_121 : memref<10240x128xf32, #tpu.memory_space<vmem_shared>>) offsets(%dma_start3A_118 : memref<128xi32, #tpu.memory_space<vmem>>) semaphore(%arg14 : memref<!tpu.dma_semaphore, #tpu.memory_space<semaphore_mem>>) {add = true}
        %dma_wait3A_122 = arith.constant 0 : i32
        %dma_wait3A_123 = arith.constant 0 : i32
        %dma_wait3A_124 = tpu.memref_slice %arg2[%dma_wait3A_122, %dma_wait3A_123] : memref<10000x128xf32, #tpu.memory_space<hbm>> -> memref<10000x128xf32, #tpu.memory_space<hbm>>
        tpu.wait_indirect_dma semaphore(%arg13 : memref<!tpu.dma_semaphore, #tpu.memory_space<semaphore_mem>>) src(%dma_wait3A_124 : memref<10000x128xf32, #tpu.memory_space<hbm>>) dst(%arg10 : memref<128x128xf32, #tpu.memory_space<vmem>>)
        %dma_start3A_125 = arith.constant 0 : i32
        %dma_start3A_126 = tpu.memref_slice %arg7[%add3A_94, %dma_start3A_125] : memref<40x128xi32, #tpu.memory_space<vmem>> -> memref<1x128xi32, #tpu.memory_space<vmem>>
        %dma_start3A_127 = tpu.memref_squeeze %dma_start3A_126 : memref<1x128xi32, #tpu.memory_space<vmem>> -> memref<128xi32, #tpu.memory_space<vmem>>
        %dma_start3A_128 = arith.constant 0 : i32
        %dma_start3A_129 = arith.constant 0 : i32
        %dma_start3A_130 = tpu.memref_slice %arg11[%dma_start3A_128, %dma_start3A_129] : memref<10240x128xf32, #tpu.memory_space<vmem_shared>> -> memref<10240x128xf32, #tpu.memory_space<vmem_shared>>
        tpu.enqueue_indirect_dma source(%arg10 : memref<128x128xf32, #tpu.memory_space<vmem>>) target(%dma_start3A_130 : memref<10240x128xf32, #tpu.memory_space<vmem_shared>>) offsets(%dma_start3A_127 : memref<128xi32, #tpu.memory_space<vmem>>) semaphore(%arg15 : memref<!tpu.dma_semaphore, #tpu.memory_space<semaphore_mem>>) {add = true}
        %scan3A_131 = arith.constant 0 : i32
        scf.yield %scan3A_131 : i32
      }
      %scan3A_83 = arith.constant 20 : i32
      %dma_wait3A = arith.constant 0 : i32
      %dma_wait3A_84 = arith.constant 0 : i32
      %dma_wait3A_85 = tpu.memref_slice %arg2[%dma_wait3A, %dma_wait3A_84] : memref<10000x128xf32, #tpu.memory_space<hbm>> -> memref<10000x128xf32, #tpu.memory_space<hbm>>
      tpu.wait_indirect_dma semaphore(%arg14 : memref<!tpu.dma_semaphore, #tpu.memory_space<semaphore_mem>>) src(%dma_wait3A_85 : memref<10000x128xf32, #tpu.memory_space<hbm>>) dst(%arg9 : memref<128x128xf32, #tpu.memory_space<vmem>>)
      %dma_wait3A_86 = arith.constant 0 : i32
      %dma_wait3A_87 = arith.constant 0 : i32
      %dma_wait3A_88 = tpu.memref_slice %arg2[%dma_wait3A_86, %dma_wait3A_87] : memref<10000x128xf32, #tpu.memory_space<hbm>> -> memref<10000x128xf32, #tpu.memory_space<hbm>>
      tpu.wait_indirect_dma semaphore(%arg15 : memref<!tpu.dma_semaphore, #tpu.memory_space<semaphore_mem>>) src(%dma_wait3A_88 : memref<10000x128xf32, #tpu.memory_space<hbm>>) dst(%arg10 : memref<128x128xf32, #tpu.memory_space<vmem>>)
    } else {
    }
    %eq3A_60 = arith.constant 0 : i32
    %eq3A_61 = arith.cmpi eq, %arg0, %eq3A_60 : i32
    %or3A_62 = arith.constant false
    %or3A_63 = arith.ori %eq3A_61, %or3A_62 : i1
    %convert_element_type3A_64 = arith.extui %or3A_63 : i1 to i32
    %cond3A_65 = arith.constant 0 : i32
    %cond3A_66 = arith.cmpi ne, %convert_element_type3A_64, %cond3A_65 : i32
    scf.if %cond3A_66 {
      %add3A = arith.constant 80 : i32
      %add3A_71 = arith.addi %select_n3A, %add3A : i32
      "tpu.region"() ({
        %run_scoped3A = tpu.sem_alloc : memref<!tpu.dma_semaphore, #tpu.memory_space<semaphore_mem>>
        %dma_start3A_89 = arith.constant 0 : i32
        %dma_start3A_90 = tpu.memref_slice %arg3[%arg1, %add3A_71, %dma_start3A_89] : memref<16x160x128xi32, #tpu.memory_space<hbm>> -> memref<1x40x128xi32, #tpu.memory_space<hbm>>
        %dma_start3A_91 = tpu.memref_squeeze %dma_start3A_90 : memref<1x40x128xi32, #tpu.memory_space<hbm>> -> memref<40x128xi32, #tpu.memory_space<hbm>>
        %dma_start3A_92 = arith.constant 0 : i32
        %dma_start3A_93 = tpu.memref_slice %arg3[%arg1, %add3A_71, %dma_start3A_92] : memref<16x160x128xi32, #tpu.memory_space<hbm>> -> memref<1x40x128xi32, #tpu.memory_space<hbm>>
        %dma_start3A_94 = tpu.memref_squeeze %dma_start3A_93 : memref<1x40x128xi32, #tpu.memory_space<hbm>> -> memref<40x128xi32, #tpu.memory_space<hbm>>
        tpu.enqueue_dma source(%dma_start3A_94 : memref<40x128xi32, #tpu.memory_space<hbm>>) target(%arg6 : memref<40x128xi32, #tpu.memory_space<vmem>>) target_semaphore(%run_scoped3A : memref<!tpu.dma_semaphore, #tpu.memory_space<semaphore_mem>>)
        %dma_wait3A_95 = arith.constant 0 : i32
        %dma_wait3A_96 = tpu.memref_slice %arg3[%arg1, %add3A_71, %dma_wait3A_95] : memref<16x160x128xi32, #tpu.memory_space<hbm>> -> memref<1x40x128xi32, #tpu.memory_space<hbm>>
        %dma_wait3A_97 = tpu.memref_squeeze %dma_wait3A_96 : memref<1x40x128xi32, #tpu.memory_space<hbm>> -> memref<40x128xi32, #tpu.memory_space<hbm>>
        %dma_wait3A_98 = arith.constant 0 : i32
        %dma_wait3A_99 = tpu.memref_slice %arg3[%arg1, %add3A_71, %dma_wait3A_98] : memref<16x160x128xi32, #tpu.memory_space<hbm>> -> memref<1x40x128xi32, #tpu.memory_space<hbm>>
        %dma_wait3A_100 = tpu.memref_squeeze %dma_wait3A_99 : memref<1x40x128xi32, #tpu.memory_space<hbm>> -> memref<40x128xi32, #tpu.memory_space<hbm>>
        tpu.wait_dma2 semaphore(%run_scoped3A : memref<!tpu.dma_semaphore, #tpu.memory_space<semaphore_mem>>) src(%dma_wait3A_100 : memref<40x128xi32, #tpu.memory_space<hbm>>) dst(%arg6 : memref<40x128xi32, #tpu.memory_space<vmem>>)
        tpu.yield
      }) : () -> ()
      "tpu.region"() ({
        %run_scoped3A = tpu.sem_alloc : memref<!tpu.dma_semaphore, #tpu.memory_space<semaphore_mem>>
        %dma_start3A_89 = arith.constant 0 : i32
        %dma_start3A_90 = tpu.memref_slice %arg4[%arg1, %add3A_71, %dma_start3A_89] : memref<16x160x128xi32, #tpu.memory_space<hbm>> -> memref<1x40x128xi32, #tpu.memory_space<hbm>>
        %dma_start3A_91 = tpu.memref_squeeze %dma_start3A_90 : memref<1x40x128xi32, #tpu.memory_space<hbm>> -> memref<40x128xi32, #tpu.memory_space<hbm>>
        %dma_start3A_92 = arith.constant 0 : i32
        %dma_start3A_93 = tpu.memref_slice %arg4[%arg1, %add3A_71, %dma_start3A_92] : memref<16x160x128xi32, #tpu.memory_space<hbm>> -> memref<1x40x128xi32, #tpu.memory_space<hbm>>
        %dma_start3A_94 = tpu.memref_squeeze %dma_start3A_93 : memref<1x40x128xi32, #tpu.memory_space<hbm>> -> memref<40x128xi32, #tpu.memory_space<hbm>>
        tpu.enqueue_dma source(%dma_start3A_94 : memref<40x128xi32, #tpu.memory_space<hbm>>) target(%arg7 : memref<40x128xi32, #tpu.memory_space<vmem>>) target_semaphore(%run_scoped3A : memref<!tpu.dma_semaphore, #tpu.memory_space<semaphore_mem>>)
        %dma_wait3A_95 = arith.constant 0 : i32
        %dma_wait3A_96 = tpu.memref_slice %arg4[%arg1, %add3A_71, %dma_wait3A_95] : memref<16x160x128xi32, #tpu.memory_space<hbm>> -> memref<1x40x128xi32, #tpu.memory_space<hbm>>
        %dma_wait3A_97 = tpu.memref_squeeze %dma_wait3A_96 : memref<1x40x128xi32, #tpu.memory_space<hbm>> -> memref<40x128xi32, #tpu.memory_space<hbm>>
        %dma_wait3A_98 = arith.constant 0 : i32
        %dma_wait3A_99 = tpu.memref_slice %arg4[%arg1, %add3A_71, %dma_wait3A_98] : memref<16x160x128xi32, #tpu.memory_space<hbm>> -> memref<1x40x128xi32, #tpu.memory_space<hbm>>
        %dma_wait3A_100 = tpu.memref_squeeze %dma_wait3A_99 : memref<1x40x128xi32, #tpu.memory_space<hbm>> -> memref<40x128xi32, #tpu.memory_space<hbm>>
        tpu.wait_dma2 semaphore(%run_scoped3A : memref<!tpu.dma_semaphore, #tpu.memory_space<semaphore_mem>>) src(%dma_wait3A_100 : memref<40x128xi32, #tpu.memory_space<hbm>>) dst(%arg7 : memref<40x128xi32, #tpu.memory_space<vmem>>)
        tpu.yield
      }) : () -> ()
      %dma_start3A = arith.constant 0 : i32
      %dma_start3A_72 = arith.constant 0 : i32
      %dma_start3A_73 = tpu.memref_slice %arg11[%dma_start3A, %dma_start3A_72] : memref<10240x128xf32, #tpu.memory_space<vmem_shared>> -> memref<10240x128xf32, #tpu.memory_space<vmem_shared>>
      tpu.enqueue_indirect_dma source(%arg9 : memref<128x128xf32, #tpu.memory_space<vmem>>) target(%dma_start3A_73 : memref<10240x128xf32, #tpu.memory_space<vmem_shared>>) offsets(%arg8 : memref<128xi32, #tpu.memory_space<vmem>>) semaphore(%arg14 : memref<!tpu.dma_semaphore, #tpu.memory_space<semaphore_mem>>) {add = true}
      %dma_start3A_74 = arith.constant 0 : i32
      %dma_start3A_75 = arith.constant 0 : i32
      %dma_start3A_76 = tpu.memref_slice %arg11[%dma_start3A_74, %dma_start3A_75] : memref<10240x128xf32, #tpu.memory_space<vmem_shared>> -> memref<10240x128xf32, #tpu.memory_space<vmem_shared>>
      tpu.enqueue_indirect_dma source(%arg10 : memref<128x128xf32, #tpu.memory_space<vmem>>) target(%dma_start3A_76 : memref<10240x128xf32, #tpu.memory_space<vmem_shared>>) offsets(%arg8 : memref<128xi32, #tpu.memory_space<vmem>>) semaphore(%arg15 : memref<!tpu.dma_semaphore, #tpu.memory_space<semaphore_mem>>) {add = true}
      %scan3A_77 = arith.constant 0 : i32
      %scan3A_78 = arith.constant 0 : i32
      %scan3A_79 = arith.constant 20 : i32
      %scan3A_80 = arith.addi %scan3A_78, %scan3A_79 : i32
      %scan3A_81 = arith.constant 1 : i32
      %scan3A_82 = scf.for %scan3A_89 = %scan3A_78 to %scan3A_80 step %scan3A_81 iter_args(%scan3A_90 = %scan3A_77) -> (i32)  : i32 {
        %mul3A_91 = arith.constant 2 : i32
        %mul3A_92 = arith.muli %mul3A_91, %scan3A_89 : i32
        %add3A_93 = arith.constant 1 : i32
        %add3A_94 = arith.addi %mul3A_92, %add3A_93 : i32
        %dma_wait3A_95 = arith.constant 0 : i32
        %dma_wait3A_96 = arith.constant 0 : i32
        %dma_wait3A_97 = tpu.memref_slice %arg2[%dma_wait3A_95, %dma_wait3A_96] : memref<10000x128xf32, #tpu.memory_space<hbm>> -> memref<10000x128xf32, #tpu.memory_space<hbm>>
        tpu.wait_indirect_dma semaphore(%arg14 : memref<!tpu.dma_semaphore, #tpu.memory_space<semaphore_mem>>) src(%dma_wait3A_97 : memref<10000x128xf32, #tpu.memory_space<hbm>>) dst(%arg9 : memref<128x128xf32, #tpu.memory_space<vmem>>)
        %dma_start3A_98 = arith.constant 0 : i32
        %dma_start3A_99 = tpu.memref_slice %arg6[%mul3A_92, %dma_start3A_98] : memref<40x128xi32, #tpu.memory_space<vmem>> -> memref<1x128xi32, #tpu.memory_space<vmem>>
        %dma_start3A_100 = tpu.memref_squeeze %dma_start3A_99 : memref<1x128xi32, #tpu.memory_space<vmem>> -> memref<128xi32, #tpu.memory_space<vmem>>
        %dma_start3A_101 = arith.constant 0 : i32
        %dma_start3A_102 = arith.constant 0 : i32
        %dma_start3A_103 = tpu.memref_slice %arg2[%dma_start3A_101, %dma_start3A_102] : memref<10000x128xf32, #tpu.memory_space<hbm>> -> memref<10000x128xf32, #tpu.memory_space<hbm>>
        tpu.enqueue_indirect_dma source(%dma_start3A_103 : memref<10000x128xf32, #tpu.memory_space<hbm>>) target(%arg9 : memref<128x128xf32, #tpu.memory_space<vmem>>) offsets(%dma_start3A_100 : memref<128xi32, #tpu.memory_space<vmem>>) semaphore(%arg12 : memref<!tpu.dma_semaphore, #tpu.memory_space<semaphore_mem>>)
        %dma_wait3A_104 = arith.constant 0 : i32
        %dma_wait3A_105 = arith.constant 0 : i32
        %dma_wait3A_106 = tpu.memref_slice %arg2[%dma_wait3A_104, %dma_wait3A_105] : memref<10000x128xf32, #tpu.memory_space<hbm>> -> memref<10000x128xf32, #tpu.memory_space<hbm>>
        tpu.wait_indirect_dma semaphore(%arg15 : memref<!tpu.dma_semaphore, #tpu.memory_space<semaphore_mem>>) src(%dma_wait3A_106 : memref<10000x128xf32, #tpu.memory_space<hbm>>) dst(%arg10 : memref<128x128xf32, #tpu.memory_space<vmem>>)
        %dma_start3A_107 = arith.constant 0 : i32
        %dma_start3A_108 = tpu.memref_slice %arg6[%add3A_94, %dma_start3A_107] : memref<40x128xi32, #tpu.memory_space<vmem>> -> memref<1x128xi32, #tpu.memory_space<vmem>>
        %dma_start3A_109 = tpu.memref_squeeze %dma_start3A_108 : memref<1x128xi32, #tpu.memory_space<vmem>> -> memref<128xi32, #tpu.memory_space<vmem>>
        %dma_start3A_110 = arith.constant 0 : i32
        %dma_start3A_111 = arith.constant 0 : i32
        %dma_start3A_112 = tpu.memref_slice %arg2[%dma_start3A_110, %dma_start3A_111] : memref<10000x128xf32, #tpu.memory_space<hbm>> -> memref<10000x128xf32, #tpu.memory_space<hbm>>
        tpu.enqueue_indirect_dma source(%dma_start3A_112 : memref<10000x128xf32, #tpu.memory_space<hbm>>) target(%arg10 : memref<128x128xf32, #tpu.memory_space<vmem>>) offsets(%dma_start3A_109 : memref<128xi32, #tpu.memory_space<vmem>>) semaphore(%arg13 : memref<!tpu.dma_semaphore, #tpu.memory_space<semaphore_mem>>)
        %dma_wait3A_113 = arith.constant 0 : i32
        %dma_wait3A_114 = arith.constant 0 : i32
        %dma_wait3A_115 = tpu.memref_slice %arg2[%dma_wait3A_113, %dma_wait3A_114] : memref<10000x128xf32, #tpu.memory_space<hbm>> -> memref<10000x128xf32, #tpu.memory_space<hbm>>
        tpu.wait_indirect_dma semaphore(%arg12 : memref<!tpu.dma_semaphore, #tpu.memory_space<semaphore_mem>>) src(%dma_wait3A_115 : memref<10000x128xf32, #tpu.memory_space<hbm>>) dst(%arg9 : memref<128x128xf32, #tpu.memory_space<vmem>>)
        %dma_start3A_116 = arith.constant 0 : i32
        %dma_start3A_117 = tpu.memref_slice %arg7[%mul3A_92, %dma_start3A_116] : memref<40x128xi32, #tpu.memory_space<vmem>> -> memref<1x128xi32, #tpu.memory_space<vmem>>
        %dma_start3A_118 = tpu.memref_squeeze %dma_start3A_117 : memref<1x128xi32, #tpu.memory_space<vmem>> -> memref<128xi32, #tpu.memory_space<vmem>>
        %dma_start3A_119 = arith.constant 0 : i32
        %dma_start3A_120 = arith.constant 0 : i32
        %dma_start3A_121 = tpu.memref_slice %arg11[%dma_start3A_119, %dma_start3A_120] : memref<10240x128xf32, #tpu.memory_space<vmem_shared>> -> memref<10240x128xf32, #tpu.memory_space<vmem_shared>>
        tpu.enqueue_indirect_dma source(%arg9 : memref<128x128xf32, #tpu.memory_space<vmem>>) target(%dma_start3A_121 : memref<10240x128xf32, #tpu.memory_space<vmem_shared>>) offsets(%dma_start3A_118 : memref<128xi32, #tpu.memory_space<vmem>>) semaphore(%arg14 : memref<!tpu.dma_semaphore, #tpu.memory_space<semaphore_mem>>) {add = true}
        %dma_wait3A_122 = arith.constant 0 : i32
        %dma_wait3A_123 = arith.constant 0 : i32
        %dma_wait3A_124 = tpu.memref_slice %arg2[%dma_wait3A_122, %dma_wait3A_123] : memref<10000x128xf32, #tpu.memory_space<hbm>> -> memref<10000x128xf32, #tpu.memory_space<hbm>>
        tpu.wait_indirect_dma semaphore(%arg13 : memref<!tpu.dma_semaphore, #tpu.memory_space<semaphore_mem>>) src(%dma_wait3A_124 : memref<10000x128xf32, #tpu.memory_space<hbm>>) dst(%arg10 : memref<128x128xf32, #tpu.memory_space<vmem>>)
        %dma_start3A_125 = arith.constant 0 : i32
        %dma_start3A_126 = tpu.memref_slice %arg7[%add3A_94, %dma_start3A_125] : memref<40x128xi32, #tpu.memory_space<vmem>> -> memref<1x128xi32, #tpu.memory_space<vmem>>
        %dma_start3A_127 = tpu.memref_squeeze %dma_start3A_126 : memref<1x128xi32, #tpu.memory_space<vmem>> -> memref<128xi32, #tpu.memory_space<vmem>>
        %dma_start3A_128 = arith.constant 0 : i32
        %dma_start3A_129 = arith.constant 0 : i32
        %dma_start3A_130 = tpu.memref_slice %arg11[%dma_start3A_128, %dma_start3A_129] : memref<10240x128xf32, #tpu.memory_space<vmem_shared>> -> memref<10240x128xf32, #tpu.memory_space<vmem_shared>>
        tpu.enqueue_indirect_dma source(%arg10 : memref<128x128xf32, #tpu.memory_space<vmem>>) target(%dma_start3A_130 : memref<10240x128xf32, #tpu.memory_space<vmem_shared>>) offsets(%dma_start3A_127 : memref<128xi32, #tpu.memory_space<vmem>>) semaphore(%arg15 : memref<!tpu.dma_semaphore, #tpu.memory_space<semaphore_mem>>) {add = true}
        %scan3A_131 = arith.constant 0 : i32
        scf.yield %scan3A_131 : i32
      }
      %scan3A_83 = arith.constant 20 : i32
      %dma_wait3A = arith.constant 0 : i32
      %dma_wait3A_84 = arith.constant 0 : i32
      %dma_wait3A_85 = tpu.memref_slice %arg2[%dma_wait3A, %dma_wait3A_84] : memref<10000x128xf32, #tpu.memory_space<hbm>> -> memref<10000x128xf32, #tpu.memory_space<hbm>>
      tpu.wait_indirect_dma semaphore(%arg14 : memref<!tpu.dma_semaphore, #tpu.memory_space<semaphore_mem>>) src(%dma_wait3A_85 : memref<10000x128xf32, #tpu.memory_space<hbm>>) dst(%arg9 : memref<128x128xf32, #tpu.memory_space<vmem>>)
      %dma_wait3A_86 = arith.constant 0 : i32
      %dma_wait3A_87 = arith.constant 0 : i32
      %dma_wait3A_88 = tpu.memref_slice %arg2[%dma_wait3A_86, %dma_wait3A_87] : memref<10000x128xf32, #tpu.memory_space<hbm>> -> memref<10000x128xf32, #tpu.memory_space<hbm>>
      tpu.wait_indirect_dma semaphore(%arg15 : memref<!tpu.dma_semaphore, #tpu.memory_space<semaphore_mem>>) src(%dma_wait3A_88 : memref<10000x128xf32, #tpu.memory_space<hbm>>) dst(%arg10 : memref<128x128xf32, #tpu.memory_space<vmem>>)
    } else {
    }
    %barrier3A_67 = arith.constant 0 : index
    tpu.barrier barrier_id(%barrier3A_67)
    "tpu.trace_stop"() : () -> ()
    "tpu.trace_start"() <{level = 10 : i32, message = "ph_writeout"}> : () -> ()
    %mul3A = arith.constant 640 : i32
    %mul3A_68 = arith.muli %arg1, %mul3A : i32
    %mul3A_69 = arith.constant 640 : i32
    %mul3A_70 = arith.muli %arg1, %mul3A_69 : i32
    "tpu.region"() ({
      %run_scoped3A = tpu.sem_alloc : memref<!tpu.dma_semaphore, #tpu.memory_space<semaphore_mem>>
      %dma_start3A = arith.constant 0 : i32
      %dma_start3A_71 = tpu.memref_slice %arg5[%arg0, %mul3A_70, %dma_start3A] : memref<2x10240x128xf32, #tpu.memory_space<hbm>> -> memref<1x640x128xf32, #tpu.memory_space<hbm>>
      %dma_start3A_72 = tpu.memref_squeeze %dma_start3A_71 : memref<1x640x128xf32, #tpu.memory_space<hbm>> -> memref<640x128xf32, #tpu.memory_space<hbm>>
      %dma_start3A_73 = arith.constant 0 : i32
      %dma_start3A_74 = tpu.memref_slice %arg11[%mul3A_68, %dma_start3A_73] : memref<10240x128xf32, #tpu.memory_space<vmem_shared>> -> memref<640x128xf32, #tpu.memory_space<vmem_shared>>
      tpu.enqueue_dma source(%dma_start3A_74 : memref<640x128xf32, #tpu.memory_space<vmem_shared>>) target(%dma_start3A_72 : memref<640x128xf32, #tpu.memory_space<hbm>>) target_semaphore(%run_scoped3A : memref<!tpu.dma_semaphore, #tpu.memory_space<semaphore_mem>>)
      %dma_wait3A = arith.constant 0 : i32
      %dma_wait3A_75 = tpu.memref_slice %arg5[%arg0, %mul3A_70, %dma_wait3A] : memref<2x10240x128xf32, #tpu.memory_space<hbm>> -> memref<1x640x128xf32, #tpu.memory_space<hbm>>
      %dma_wait3A_76 = tpu.memref_squeeze %dma_wait3A_75 : memref<1x640x128xf32, #tpu.memory_space<hbm>> -> memref<640x128xf32, #tpu.memory_space<hbm>>
      %dma_wait3A_77 = arith.constant 0 : i32
      %dma_wait3A_78 = tpu.memref_slice %arg11[%mul3A_68, %dma_wait3A_77] : memref<10240x128xf32, #tpu.memory_space<vmem_shared>> -> memref<640x128xf32, #tpu.memory_space<vmem_shared>>
      tpu.wait_dma2 semaphore(%run_scoped3A : memref<!tpu.dma_semaphore, #tpu.memory_space<semaphore_mem>>) src(%dma_wait3A_78 : memref<640x128xf32, #tpu.memory_space<vmem_shared>>) dst(%dma_wait3A_76 : memref<640x128xf32, #tpu.memory_space<hbm>>)
      tpu.yield
    }) : () -> ()
    "tpu.trace_stop"() : () -> ()
    return
  }
}

#map = affine_map<(d0, d1) -> (0, 0)>
#map1 = affine_map<(d0, d1) -> (0, 0, 0)>
module attributes {stable_mosaic.version = 14 : i64} {
  func.func @_seg_sum_body(%arg0: i32, %arg1: i32, %arg2: memref<10000x128xf32, #tpu.memory_space<hbm>>, %arg3: memref<16x160x128xi32, #tpu.memory_space<hbm>>, %arg4: memref<16x160x128xi32, #tpu.memory_space<hbm>>, %arg5: memref<2x10240x128xf32, #tpu.memory_space<hbm>>, %arg6: memref<40x128xi32, #tpu.memory_space<vmem>>, %arg7: memref<40x128xi32, #tpu.memory_space<vmem>>, %arg8: memref<128xi32, #tpu.memory_space<vmem>>, %arg9: memref<128x128xf32, #tpu.memory_space<vmem>>, %arg10: memref<128x128xf32, #tpu.memory_space<vmem>>, %arg11: memref<10240x128xf32, #tpu.memory_space<vmem_shared>>, %arg12: memref<!tpu.dma_semaphore, #tpu.memory_space<semaphore_mem>>, %arg13: memref<!tpu.dma_semaphore, #tpu.memory_space<semaphore_mem>>, %arg14: memref<!tpu.dma_semaphore, #tpu.memory_space<semaphore_mem>>, %arg15: memref<!tpu.dma_semaphore, #tpu.memory_space<semaphore_mem>>) attributes {dimension_semantics = [#tpu.dimension_semantics<core_parallel>, #tpu.dimension_semantics<subcore_parallel>], iteration_bounds = array<i64: 2, 16>, scalar_prefetch = 0 : i64, scratch_operands = 10 : i64, tpu.core_type = #tpu.core_type<sc_vector_subcore>, window_params = [{transform_indices = #map}, {transform_indices = #map1}, {transform_indices = #map1}, {transform_indices = #map1}]} {
    %broadcast_in_dim3A = arith.constant 0.000000e+00 : f32
    %broadcast_in_dim3A_0 = vector.broadcast %broadcast_in_dim3A : f32 to vector<16xf32>
    %broadcast_in_dim3A_1 = arith.constant 10239 : i32
    %broadcast_in_dim3A_2 = vector.broadcast %broadcast_in_dim3A_1 : i32 to vector<16xi32>
    %scan3A = arith.constant 0 : i32
    %scan3A_3 = arith.constant 0 : i32
    %scan3A_4 = arith.constant 1024 : i32
    %scan3A_5 = arith.addi %scan3A_3, %scan3A_4 : i32
    %scan3A_6 = arith.constant 1 : i32
    %scan3A_7 = scf.for %scan3A_71 = %scan3A_3 to %scan3A_5 step %scan3A_6 iter_args(%scan3A_72 = %scan3A) -> (i32)  : i32 {
      %jit3A_73 = arith.constant 8 : i32
      %div3A = arith.divsi %scan3A_71, %jit3A_73 : i32
      %sign3A = arith.constant 0 : i32
      %sign3A_74 = arith.cmpi sgt, %scan3A_71, %sign3A : i32
      %sign3A_75 = arith.extui %sign3A_74 : i1 to i32
      %sign3A_76 = arith.constant 0 : i32
      %sign3A_77 = arith.cmpi slt, %scan3A_71, %sign3A_76 : i32
      %sign3A_78 = arith.extui %sign3A_77 : i1 to i32
      %sign3A_79 = arith.subi %sign3A_75, %sign3A_78 : i32
      %sign3A_80 = arith.constant 0 : i32
      %sign3A_81 = arith.cmpi sgt, %jit3A_73, %sign3A_80 : i32
      %sign3A_82 = arith.extui %sign3A_81 : i1 to i32
      %sign3A_83 = arith.constant 0 : i32
      %sign3A_84 = arith.cmpi slt, %jit3A_73, %sign3A_83 : i32
      %sign3A_85 = arith.extui %sign3A_84 : i1 to i32
      %sign3A_86 = arith.subi %sign3A_82, %sign3A_85 : i32
      %ne3A = arith.cmpi ne, %sign3A_79, %sign3A_86 : i32
      %rem3A = arith.remsi %scan3A_71, %jit3A_73 : i32
      %ne3A_87 = arith.constant 0 : i32
      %ne3A_88 = arith.cmpi ne, %rem3A, %ne3A_87 : i32
      %and3A = arith.andi %ne3A, %ne3A_88 : i1
      %sub3A = arith.constant 1 : i32
      %sub3A_89 = arith.subi %div3A, %sub3A : i32
      %select_n3A_90 = arith.select %and3A, %sub3A_89, %div3A : i32
      %jit3A_91 = arith.constant 8 : i32
      %eq3A_92 = arith.constant 0 : i32
      %eq3A_93 = arith.cmpi eq, %jit3A_91, %eq3A_92 : i32
      %jit3A_94 = arith.constant 1 : i32
      %select_n3A_95 = arith.select %eq3A_93, %jit3A_94, %jit3A_91 : i32
      %rem3A_96 = arith.remsi %scan3A_71, %select_n3A_95 : i32
      %ne3A_97 = arith.constant 0 : i32
      %ne3A_98 = arith.cmpi ne, %rem3A_96, %ne3A_97 : i32
      %lt3A = arith.constant 0 : i32
      %lt3A_99 = arith.cmpi slt, %rem3A_96, %lt3A : i32
      %lt3A_100 = arith.constant 0 : i32
      %lt3A_101 = arith.cmpi slt, %select_n3A_95, %lt3A_100 : i32
      %ne3A_102 = arith.xori %lt3A_99, %lt3A_101 : i1
      %and3A_103 = arith.andi %ne3A_102, %ne3A_98 : i1
      %add3A = arith.addi %rem3A_96, %select_n3A_95 : i32
      %select_n3A_104 = arith.select %and3A_103, %add3A, %rem3A_96 : i32
      %mul3A_105 = arith.constant 16 : i32
      %mul3A_106 = arith.muli %select_n3A_104, %mul3A_105 : i32
      %swap3A_107 = arith.index_cast %select_n3A_90 : i32 to index
      %swap3A_108 = arith.index_cast %mul3A_106 : i32 to index
      %swap3A_109 = tpu.vector_load %arg9[%swap3A_107, %swap3A_108] {strides = array<i32>} : memref<128x128xf32, #tpu.memory_space<vmem>>, vector<1x16xf32>,
      %swap3A_110 = vector.shape_cast %swap3A_109 : vector<1x16xf32> to vector<16xf32>
      %swap3A_111 = vector.shape_cast %broadcast_in_dim3A_0 : vector<16xf32> to vector<1x16xf32>
      tpu.vector_store %arg9[%swap3A_107, %swap3A_108], %swap3A_111 {strides = array<i32>} : memref<128x128xf32, #tpu.memory_space<vmem>>, vector<1x16xf32>,
      %scan3A_112 = arith.constant 0 : i32
      scf.yield %scan3A_112 : i32
    }
    %scan3A_8 = arith.constant 1024 : i32
    %swap3A = arith.constant 0 : index
    %swap3A_9 = tpu.vector_load %arg8[%swap3A] {strides = array<i32>} : memref<128xi32, #tpu.memory_space<vmem>>, vector<16xi32>,
    %swap3A_10 = vector.shape_cast %swap3A_9 : vector<16xi32> to vector<16xi32>
    %swap3A_11 = vector.shape_cast %broadcast_in_dim3A_2 : vector<16xi32> to vector<16xi32>
    tpu.vector_store %arg8[%swap3A], %swap3A_11 {strides = array<i32>} : memref<128xi32, #tpu.memory_space<vmem>>, vector<16xi32>,
    %swap3A_12 = arith.constant 16 : index
    %swap3A_13 = tpu.vector_load %arg8[%swap3A_12] {strides = array<i32>} : memref<128xi32, #tpu.memory_space<vmem>>, vector<16xi32>,
    %swap3A_14 = vector.shape_cast %swap3A_13 : vector<16xi32> to vector<16xi32>
    %swap3A_15 = vector.shape_cast %broadcast_in_dim3A_2 : vector<16xi32> to vector<16xi32>
    tpu.vector_store %arg8[%swap3A_12], %swap3A_15 {strides = array<i32>} : memref<128xi32, #tpu.memory_space<vmem>>, vector<16xi32>,
    %swap3A_16 = arith.constant 32 : index
    %swap3A_17 = tpu.vector_load %arg8[%swap3A_16] {strides = array<i32>} : memref<128xi32, #tpu.memory_space<vmem>>, vector<16xi32>,
    %swap3A_18 = vector.shape_cast %swap3A_17 : vector<16xi32> to vector<16xi32>
    %swap3A_19 = vector.shape_cast %broadcast_in_dim3A_2 : vector<16xi32> to vector<16xi32>
    tpu.vector_store %arg8[%swap3A_16], %swap3A_19 {strides = array<i32>} : memref<128xi32, #tpu.memory_space<vmem>>, vector<16xi32>,
    %swap3A_20 = arith.constant 48 : index
    %swap3A_21 = tpu.vector_load %arg8[%swap3A_20] {strides = array<i32>} : memref<128xi32, #tpu.memory_space<vmem>>, vector<16xi32>,
    %swap3A_22 = vector.shape_cast %swap3A_21 : vector<16xi32> to vector<16xi32>
    %swap3A_23 = vector.shape_cast %broadcast_in_dim3A_2 : vector<16xi32> to vector<16xi32>
    tpu.vector_store %arg8[%swap3A_20], %swap3A_23 {strides = array<i32>} : memref<128xi32, #tpu.memory_space<vmem>>, vector<16xi32>,
    %swap3A_24 = arith.constant 64 : index
    %swap3A_25 = tpu.vector_load %arg8[%swap3A_24] {strides = array<i32>} : memref<128xi32, #tpu.memory_space<vmem>>, vector<16xi32>,
    %swap3A_26 = vector.shape_cast %swap3A_25 : vector<16xi32> to vector<16xi32>
    %swap3A_27 = vector.shape_cast %broadcast_in_dim3A_2 : vector<16xi32> to vector<16xi32>
    tpu.vector_store %arg8[%swap3A_24], %swap3A_27 {strides = array<i32>} : memref<128xi32, #tpu.memory_space<vmem>>, vector<16xi32>,
    %swap3A_28 = arith.constant 80 : index
    %swap3A_29 = tpu.vector_load %arg8[%swap3A_28] {strides = array<i32>} : memref<128xi32, #tpu.memory_space<vmem>>, vector<16xi32>,
    %swap3A_30 = vector.shape_cast %swap3A_29 : vector<16xi32> to vector<16xi32>
    %swap3A_31 = vector.shape_cast %broadcast_in_dim3A_2 : vector<16xi32> to vector<16xi32>
    tpu.vector_store %arg8[%swap3A_28], %swap3A_31 {strides = array<i32>} : memref<128xi32, #tpu.memory_space<vmem>>, vector<16xi32>,
    %swap3A_32 = arith.constant 96 : index
    %swap3A_33 = tpu.vector_load %arg8[%swap3A_32] {strides = array<i32>} : memref<128xi32, #tpu.memory_space<vmem>>, vector<16xi32>,
    %swap3A_34 = vector.shape_cast %swap3A_33 : vector<16xi32> to vector<16xi32>
    %swap3A_35 = vector.shape_cast %broadcast_in_dim3A_2 : vector<16xi32> to vector<16xi32>
    tpu.vector_store %arg8[%swap3A_32], %swap3A_35 {strides = array<i32>} : memref<128xi32, #tpu.memory_space<vmem>>, vector<16xi32>,
    %swap3A_36 = arith.constant 112 : index
    %swap3A_37 = tpu.vector_load %arg8[%swap3A_36] {strides = array<i32>} : memref<128xi32, #tpu.memory_space<vmem>>, vector<16xi32>,
    %swap3A_38 = vector.shape_cast %swap3A_37 : vector<16xi32> to vector<16xi32>
    %swap3A_39 = vector.shape_cast %broadcast_in_dim3A_2 : vector<16xi32> to vector<16xi32>
    tpu.vector_store %arg8[%swap3A_36], %swap3A_39 {strides = array<i32>} : memref<128xi32, #tpu.memory_space<vmem>>, vector<16xi32>,
    "tpu.trace_start"() <{level = 10 : i32, message = "ph_zero"}> : () -> ()
    %scan3A_40 = arith.constant 0 : i32
    %scan3A_41 = arith.constant 0 : i32
    %scan3A_42 = arith.constant 5 : i32
    %scan3A_43 = arith.addi %scan3A_41, %scan3A_42 : i32
    %scan3A_44 = arith.constant 1 : i32
    %scan3A_45 = scf.for %scan3A_71 = %scan3A_41 to %scan3A_43 step %scan3A_44 iter_args(%scan3A_72 = %scan3A_40) -> (i32)  : i32 {
      %mul3A_73 = arith.constant 640 : i32
      %mul3A_74 = arith.muli %arg1, %mul3A_73 : i32
      %mul3A_75 = arith.constant 128 : i32
      %mul3A_76 = arith.muli %scan3A_71, %mul3A_75 : i32
      %add3A = arith.addi %mul3A_74, %mul3A_76 : i32
      "tpu.region"() ({
        %run_scoped3A = tpu.sem_alloc : memref<!tpu.dma_semaphore, #tpu.memory_space<semaphore_mem>>
        %dma_start3A = arith.constant 0 : i32
        %dma_start3A_78 = tpu.memref_slice %arg11[%add3A, %dma_start3A] : memref<10240x128xf32, #tpu.memory_space<vmem_shared>> -> memref<128x128xf32, #tpu.memory_space<vmem_shared>>
        %dma_start3A_79 = arith.constant 0 : i32
        %dma_start3A_80 = tpu.memref_slice %arg11[%add3A, %dma_start3A_79] : memref<10240x128xf32, #tpu.memory_space<vmem_shared>> -> memref<128x128xf32, #tpu.memory_space<vmem_shared>>
        tpu.enqueue_dma source(%arg9 : memref<128x128xf32, #tpu.memory_space<vmem>>) target(%dma_start3A_80 : memref<128x128xf32, #tpu.memory_space<vmem_shared>>) target_semaphore(%run_scoped3A : memref<!tpu.dma_semaphore, #tpu.memory_space<semaphore_mem>>)
        %dma_wait3A = arith.constant 0 : i32
        %dma_wait3A_81 = tpu.memref_slice %arg11[%add3A, %dma_wait3A] : memref<10240x128xf32, #tpu.memory_space<vmem_shared>> -> memref<128x128xf32, #tpu.memory_space<vmem_shared>>
        %dma_wait3A_82 = arith.constant 0 : i32
        %dma_wait3A_83 = tpu.memref_slice %arg11[%add3A, %dma_wait3A_82] : memref<10240x128xf32, #tpu.memory_space<vmem_shared>> -> memref<128x128xf32, #tpu.memory_space<vmem_shared>>
        tpu.wait_dma2 semaphore(%run_scoped3A : memref<!tpu.dma_semaphore, #tpu.memory_space<semaphore_mem>>) src(%arg9 : memref<128x128xf32, #tpu.memory_space<vmem>>) dst(%dma_wait3A_83 : memref<128x128xf32, #tpu.memory_space<vmem_shared>>)
        tpu.yield
      }) : () -> ()
      %scan3A_77 = arith.constant 0 : i32
      scf.yield %scan3A_77 : i32
    }
    %scan3A_46 = arith.constant 5 : i32
    %barrier3A = arith.constant 0 : index
    tpu.barrier barrier_id(%barrier3A)
    %eq3A = arith.constant 0 : i32
    "tpu.trace_stop"() : () -> ()
    %eq3A_47 = arith.cmpi eq, %arg0, %eq3A : i32
    %jit3A = arith.constant 0 : i32
    %jit3A_48 = arith.constant 120 : i32
    %select_n3A = arith.select %eq3A_47, %jit3A, %jit3A_48 : i32
    %eq3A_49 = arith.constant 0 : i32
    "tpu.trace_start"() <{level = 10 : i32, message = "ph_edges"}> : () -> ()
    %eq3A_50 = arith.cmpi eq, %arg0, %eq3A_49 : i32
    %or3A = arith.constant true
    %or3A_51 = arith.ori %eq3A_50, %or3A : i1
    %convert_element_type3A = arith.extui %or3A_51 : i1 to i32
    %cond3A = arith.constant 0 : i32
    %cond3A_52 = arith.cmpi ne, %convert_element_type3A, %cond3A : i32
    scf.if %cond3A_52 {
      %add3A = arith.constant 0 : i32
      %add3A_71 = arith.addi %select_n3A, %add3A : i32
      "tpu.region"() ({
        %run_scoped3A = tpu.sem_alloc : memref<!tpu.dma_semaphore, #tpu.memory_space<semaphore_mem>>
        %dma_start3A_89 = arith.constant 0 : i32
        %dma_start3A_90 = tpu.memref_slice %arg3[%arg1, %add3A_71, %dma_start3A_89] : memref<16x160x128xi32, #tpu.memory_space<hbm>> -> memref<1x40x128xi32, #tpu.memory_space<hbm>>
        %dma_start3A_91 = tpu.memref_squeeze %dma_start3A_90 : memref<1x40x128xi32, #tpu.memory_space<hbm>> -> memref<40x128xi32, #tpu.memory_space<hbm>>
        %dma_start3A_92 = arith.constant 0 : i32
        %dma_start3A_93 = tpu.memref_slice %arg3[%arg1, %add3A_71, %dma_start3A_92] : memref<16x160x128xi32, #tpu.memory_space<hbm>> -> memref<1x40x128xi32, #tpu.memory_space<hbm>>
        %dma_start3A_94 = tpu.memref_squeeze %dma_start3A_93 : memref<1x40x128xi32, #tpu.memory_space<hbm>> -> memref<40x128xi32, #tpu.memory_space<hbm>>
        tpu.enqueue_dma source(%dma_start3A_94 : memref<40x128xi32, #tpu.memory_space<hbm>>) target(%arg6 : memref<40x128xi32, #tpu.memory_space<vmem>>) target_semaphore(%run_scoped3A : memref<!tpu.dma_semaphore, #tpu.memory_space<semaphore_mem>>)
        %dma_wait3A_95 = arith.constant 0 : i32
        %dma_wait3A_96 = tpu.memref_slice %arg3[%arg1, %add3A_71, %dma_wait3A_95] : memref<16x160x128xi32, #tpu.memory_space<hbm>> -> memref<1x40x128xi32, #tpu.memory_space<hbm>>
        %dma_wait3A_97 = tpu.memref_squeeze %dma_wait3A_96 : memref<1x40x128xi32, #tpu.memory_space<hbm>> -> memref<40x128xi32, #tpu.memory_space<hbm>>
        %dma_wait3A_98 = arith.constant 0 : i32
        %dma_wait3A_99 = tpu.memref_slice %arg3[%arg1, %add3A_71, %dma_wait3A_98] : memref<16x160x128xi32, #tpu.memory_space<hbm>> -> memref<1x40x128xi32, #tpu.memory_space<hbm>>
        %dma_wait3A_100 = tpu.memref_squeeze %dma_wait3A_99 : memref<1x40x128xi32, #tpu.memory_space<hbm>> -> memref<40x128xi32, #tpu.memory_space<hbm>>
        tpu.wait_dma2 semaphore(%run_scoped3A : memref<!tpu.dma_semaphore, #tpu.memory_space<semaphore_mem>>) src(%dma_wait3A_100 : memref<40x128xi32, #tpu.memory_space<hbm>>) dst(%arg6 : memref<40x128xi32, #tpu.memory_space<vmem>>)
        tpu.yield
      }) : () -> ()
      "tpu.region"() ({
        %run_scoped3A = tpu.sem_alloc : memref<!tpu.dma_semaphore, #tpu.memory_space<semaphore_mem>>
        %dma_start3A_89 = arith.constant 0 : i32
        %dma_start3A_90 = tpu.memref_slice %arg4[%arg1, %add3A_71, %dma_start3A_89] : memref<16x160x128xi32, #tpu.memory_space<hbm>> -> memref<1x40x128xi32, #tpu.memory_space<hbm>>
        %dma_start3A_91 = tpu.memref_squeeze %dma_start3A_90 : memref<1x40x128xi32, #tpu.memory_space<hbm>> -> memref<40x128xi32, #tpu.memory_space<hbm>>
        %dma_start3A_92 = arith.constant 0 : i32
        %dma_start3A_93 = tpu.memref_slice %arg4[%arg1, %add3A_71, %dma_start3A_92] : memref<16x160x128xi32, #tpu.memory_space<hbm>> -> memref<1x40x128xi32, #tpu.memory_space<hbm>>
        %dma_start3A_94 = tpu.memref_squeeze %dma_start3A_93 : memref<1x40x128xi32, #tpu.memory_space<hbm>> -> memref<40x128xi32, #tpu.memory_space<hbm>>
        tpu.enqueue_dma source(%dma_start3A_94 : memref<40x128xi32, #tpu.memory_space<hbm>>) target(%arg7 : memref<40x128xi32, #tpu.memory_space<vmem>>) target_semaphore(%run_scoped3A : memref<!tpu.dma_semaphore, #tpu.memory_space<semaphore_mem>>)
        %dma_wait3A_95 = arith.constant 0 : i32
        %dma_wait3A_96 = tpu.memref_slice %arg4[%arg1, %add3A_71, %dma_wait3A_95] : memref<16x160x128xi32, #tpu.memory_space<hbm>> -> memref<1x40x128xi32, #tpu.memory_space<hbm>>
        %dma_wait3A_97 = tpu.memref_squeeze %dma_wait3A_96 : memref<1x40x128xi32, #tpu.memory_space<hbm>> -> memref<40x128xi32, #tpu.memory_space<hbm>>
        %dma_wait3A_98 = arith.constant 0 : i32
        %dma_wait3A_99 = tpu.memref_slice %arg4[%arg1, %add3A_71, %dma_wait3A_98] : memref<16x160x128xi32, #tpu.memory_space<hbm>> -> memref<1x40x128xi32, #tpu.memory_space<hbm>>
        %dma_wait3A_100 = tpu.memref_squeeze %dma_wait3A_99 : memref<1x40x128xi32, #tpu.memory_space<hbm>> -> memref<40x128xi32, #tpu.memory_space<hbm>>
        tpu.wait_dma2 semaphore(%run_scoped3A : memref<!tpu.dma_semaphore, #tpu.memory_space<semaphore_mem>>) src(%dma_wait3A_100 : memref<40x128xi32, #tpu.memory_space<hbm>>) dst(%arg7 : memref<40x128xi32, #tpu.memory_space<vmem>>)
        tpu.yield
      }) : () -> ()
      %dma_start3A = arith.constant 0 : i32
      %dma_start3A_72 = arith.constant 0 : i32
      %dma_start3A_73 = tpu.memref_slice %arg11[%dma_start3A, %dma_start3A_72] : memref<10240x128xf32, #tpu.memory_space<vmem_shared>> -> memref<10240x128xf32, #tpu.memory_space<vmem_shared>>
      tpu.enqueue_indirect_dma source(%arg9 : memref<128x128xf32, #tpu.memory_space<vmem>>) target(%dma_start3A_73 : memref<10240x128xf32, #tpu.memory_space<vmem_shared>>) offsets(%arg8 : memref<128xi32, #tpu.memory_space<vmem>>) semaphore(%arg14 : memref<!tpu.dma_semaphore, #tpu.memory_space<semaphore_mem>>) {add = true}
      %dma_start3A_74 = arith.constant 0 : i32
      %dma_start3A_75 = arith.constant 0 : i32
      %dma_start3A_76 = tpu.memref_slice %arg11[%dma_start3A_74, %dma_start3A_75] : memref<10240x128xf32, #tpu.memory_space<vmem_shared>> -> memref<10240x128xf32, #tpu.memory_space<vmem_shared>>
      tpu.enqueue_indirect_dma source(%arg10 : memref<128x128xf32, #tpu.memory_space<vmem>>) target(%dma_start3A_76 : memref<10240x128xf32, #tpu.memory_space<vmem_shared>>) offsets(%arg8 : memref<128xi32, #tpu.memory_space<vmem>>) semaphore(%arg15 : memref<!tpu.dma_semaphore, #tpu.memory_space<semaphore_mem>>) {add = true}
      %scan3A_77 = arith.constant 0 : i32
      %scan3A_78 = arith.constant 0 : i32
      %scan3A_79 = arith.constant 20 : i32
      %scan3A_80 = arith.addi %scan3A_78, %scan3A_79 : i32
      %scan3A_81 = arith.constant 1 : i32
      %scan3A_82 = scf.for %scan3A_89 = %scan3A_78 to %scan3A_80 step %scan3A_81 iter_args(%scan3A_90 = %scan3A_77) -> (i32)  : i32 {
        %mul3A_91 = arith.constant 2 : i32
        %mul3A_92 = arith.muli %mul3A_91, %scan3A_89 : i32
        %add3A_93 = arith.constant 1 : i32
        %add3A_94 = arith.addi %mul3A_92, %add3A_93 : i32
        %dma_wait3A_95 = arith.constant 0 : i32
        %dma_wait3A_96 = arith.constant 0 : i32
        %dma_wait3A_97 = tpu.memref_slice %arg2[%dma_wait3A_95, %dma_wait3A_96] : memref<10000x128xf32, #tpu.memory_space<hbm>> -> memref<10000x128xf32, #tpu.memory_space<hbm>>
        tpu.wait_indirect_dma semaphore(%arg14 : memref<!tpu.dma_semaphore, #tpu.memory_space<semaphore_mem>>) src(%dma_wait3A_97 : memref<10000x128xf32, #tpu.memory_space<hbm>>) dst(%arg9 : memref<128x128xf32, #tpu.memory_space<vmem>>)
        %dma_start3A_98 = arith.constant 0 : i32
        %dma_start3A_99 = tpu.memref_slice %arg6[%mul3A_92, %dma_start3A_98] : memref<40x128xi32, #tpu.memory_space<vmem>> -> memref<1x128xi32, #tpu.memory_space<vmem>>
        %dma_start3A_100 = tpu.memref_squeeze %dma_start3A_99 : memref<1x128xi32, #tpu.memory_space<vmem>> -> memref<128xi32, #tpu.memory_space<vmem>>
        %dma_start3A_101 = arith.constant 0 : i32
        %dma_start3A_102 = arith.constant 0 : i32
        %dma_start3A_103 = tpu.memref_slice %arg2[%dma_start3A_101, %dma_start3A_102] : memref<10000x128xf32, #tpu.memory_space<hbm>> -> memref<10000x128xf32, #tpu.memory_space<hbm>>
        tpu.enqueue_indirect_dma source(%dma_start3A_103 : memref<10000x128xf32, #tpu.memory_space<hbm>>) target(%arg9 : memref<128x128xf32, #tpu.memory_space<vmem>>) offsets(%dma_start3A_100 : memref<128xi32, #tpu.memory_space<vmem>>) semaphore(%arg12 : memref<!tpu.dma_semaphore, #tpu.memory_space<semaphore_mem>>)
        %dma_wait3A_104 = arith.constant 0 : i32
        %dma_wait3A_105 = arith.constant 0 : i32
        %dma_wait3A_106 = tpu.memref_slice %arg2[%dma_wait3A_104, %dma_wait3A_105] : memref<10000x128xf32, #tpu.memory_space<hbm>> -> memref<10000x128xf32, #tpu.memory_space<hbm>>
        tpu.wait_indirect_dma semaphore(%arg15 : memref<!tpu.dma_semaphore, #tpu.memory_space<semaphore_mem>>) src(%dma_wait3A_106 : memref<10000x128xf32, #tpu.memory_space<hbm>>) dst(%arg10 : memref<128x128xf32, #tpu.memory_space<vmem>>)
        %dma_start3A_107 = arith.constant 0 : i32
        %dma_start3A_108 = tpu.memref_slice %arg6[%add3A_94, %dma_start3A_107] : memref<40x128xi32, #tpu.memory_space<vmem>> -> memref<1x128xi32, #tpu.memory_space<vmem>>
        %dma_start3A_109 = tpu.memref_squeeze %dma_start3A_108 : memref<1x128xi32, #tpu.memory_space<vmem>> -> memref<128xi32, #tpu.memory_space<vmem>>
        %dma_start3A_110 = arith.constant 0 : i32
        %dma_start3A_111 = arith.constant 0 : i32
        %dma_start3A_112 = tpu.memref_slice %arg2[%dma_start3A_110, %dma_start3A_111] : memref<10000x128xf32, #tpu.memory_space<hbm>> -> memref<10000x128xf32, #tpu.memory_space<hbm>>
        tpu.enqueue_indirect_dma source(%dma_start3A_112 : memref<10000x128xf32, #tpu.memory_space<hbm>>) target(%arg10 : memref<128x128xf32, #tpu.memory_space<vmem>>) offsets(%dma_start3A_109 : memref<128xi32, #tpu.memory_space<vmem>>) semaphore(%arg13 : memref<!tpu.dma_semaphore, #tpu.memory_space<semaphore_mem>>)
        %dma_wait3A_113 = arith.constant 0 : i32
        %dma_wait3A_114 = arith.constant 0 : i32
        %dma_wait3A_115 = tpu.memref_slice %arg2[%dma_wait3A_113, %dma_wait3A_114] : memref<10000x128xf32, #tpu.memory_space<hbm>> -> memref<10000x128xf32, #tpu.memory_space<hbm>>
        tpu.wait_indirect_dma semaphore(%arg12 : memref<!tpu.dma_semaphore, #tpu.memory_space<semaphore_mem>>) src(%dma_wait3A_115 : memref<10000x128xf32, #tpu.memory_space<hbm>>) dst(%arg9 : memref<128x128xf32, #tpu.memory_space<vmem>>)
        %dma_start3A_116 = arith.constant 0 : i32
        %dma_start3A_117 = tpu.memref_slice %arg7[%mul3A_92, %dma_start3A_116] : memref<40x128xi32, #tpu.memory_space<vmem>> -> memref<1x128xi32, #tpu.memory_space<vmem>>
        %dma_start3A_118 = tpu.memref_squeeze %dma_start3A_117 : memref<1x128xi32, #tpu.memory_space<vmem>> -> memref<128xi32, #tpu.memory_space<vmem>>
        %dma_start3A_119 = arith.constant 0 : i32
        %dma_start3A_120 = arith.constant 0 : i32
        %dma_start3A_121 = tpu.memref_slice %arg11[%dma_start3A_119, %dma_start3A_120] : memref<10240x128xf32, #tpu.memory_space<vmem_shared>> -> memref<10240x128xf32, #tpu.memory_space<vmem_shared>>
        tpu.enqueue_indirect_dma source(%arg9 : memref<128x128xf32, #tpu.memory_space<vmem>>) target(%dma_start3A_121 : memref<10240x128xf32, #tpu.memory_space<vmem_shared>>) offsets(%dma_start3A_118 : memref<128xi32, #tpu.memory_space<vmem>>) semaphore(%arg14 : memref<!tpu.dma_semaphore, #tpu.memory_space<semaphore_mem>>) {add = true}
        %dma_wait3A_122 = arith.constant 0 : i32
        %dma_wait3A_123 = arith.constant 0 : i32
        %dma_wait3A_124 = tpu.memref_slice %arg2[%dma_wait3A_122, %dma_wait3A_123] : memref<10000x128xf32, #tpu.memory_space<hbm>> -> memref<10000x128xf32, #tpu.memory_space<hbm>>
        tpu.wait_indirect_dma semaphore(%arg13 : memref<!tpu.dma_semaphore, #tpu.memory_space<semaphore_mem>>) src(%dma_wait3A_124 : memref<10000x128xf32, #tpu.memory_space<hbm>>) dst(%arg10 : memref<128x128xf32, #tpu.memory_space<vmem>>)
        %dma_start3A_125 = arith.constant 0 : i32
        %dma_start3A_126 = tpu.memref_slice %arg7[%add3A_94, %dma_start3A_125] : memref<40x128xi32, #tpu.memory_space<vmem>> -> memref<1x128xi32, #tpu.memory_space<vmem>>
        %dma_start3A_127 = tpu.memref_squeeze %dma_start3A_126 : memref<1x128xi32, #tpu.memory_space<vmem>> -> memref<128xi32, #tpu.memory_space<vmem>>
        %dma_start3A_128 = arith.constant 0 : i32
        %dma_start3A_129 = arith.constant 0 : i32
        %dma_start3A_130 = tpu.memref_slice %arg11[%dma_start3A_128, %dma_start3A_129] : memref<10240x128xf32, #tpu.memory_space<vmem_shared>> -> memref<10240x128xf32, #tpu.memory_space<vmem_shared>>
        tpu.enqueue_indirect_dma source(%arg10 : memref<128x128xf32, #tpu.memory_space<vmem>>) target(%dma_start3A_130 : memref<10240x128xf32, #tpu.memory_space<vmem_shared>>) offsets(%dma_start3A_127 : memref<128xi32, #tpu.memory_space<vmem>>) semaphore(%arg15 : memref<!tpu.dma_semaphore, #tpu.memory_space<semaphore_mem>>) {add = true}
        %scan3A_131 = arith.constant 0 : i32
        scf.yield %scan3A_131 : i32
      }
      %scan3A_83 = arith.constant 20 : i32
      %dma_wait3A = arith.constant 0 : i32
      %dma_wait3A_84 = arith.constant 0 : i32
      %dma_wait3A_85 = tpu.memref_slice %arg2[%dma_wait3A, %dma_wait3A_84] : memref<10000x128xf32, #tpu.memory_space<hbm>> -> memref<10000x128xf32, #tpu.memory_space<hbm>>
      tpu.wait_indirect_dma semaphore(%arg14 : memref<!tpu.dma_semaphore, #tpu.memory_space<semaphore_mem>>) src(%dma_wait3A_85 : memref<10000x128xf32, #tpu.memory_space<hbm>>) dst(%arg9 : memref<128x128xf32, #tpu.memory_space<vmem>>)
      %dma_wait3A_86 = arith.constant 0 : i32
      %dma_wait3A_87 = arith.constant 0 : i32
      %dma_wait3A_88 = tpu.memref_slice %arg2[%dma_wait3A_86, %dma_wait3A_87] : memref<10000x128xf32, #tpu.memory_space<hbm>> -> memref<10000x128xf32, #tpu.memory_space<hbm>>
      tpu.wait_indirect_dma semaphore(%arg15 : memref<!tpu.dma_semaphore, #tpu.memory_space<semaphore_mem>>) src(%dma_wait3A_88 : memref<10000x128xf32, #tpu.memory_space<hbm>>) dst(%arg10 : memref<128x128xf32, #tpu.memory_space<vmem>>)
    } else {
    }
    %eq3A_53 = arith.constant 0 : i32
    %eq3A_54 = arith.cmpi eq, %arg0, %eq3A_53 : i32
    %or3A_55 = arith.constant false
    %or3A_56 = arith.ori %eq3A_54, %or3A_55 : i1
    %convert_element_type3A_57 = arith.extui %or3A_56 : i1 to i32
    %cond3A_58 = arith.constant 0 : i32
    %cond3A_59 = arith.cmpi ne, %convert_element_type3A_57, %cond3A_58 : i32
    scf.if %cond3A_59 {
      %add3A = arith.constant 40 : i32
      %add3A_71 = arith.addi %select_n3A, %add3A : i32
      "tpu.region"() ({
        %run_scoped3A = tpu.sem_alloc : memref<!tpu.dma_semaphore, #tpu.memory_space<semaphore_mem>>
        %dma_start3A_89 = arith.constant 0 : i32
        %dma_start3A_90 = tpu.memref_slice %arg3[%arg1, %add3A_71, %dma_start3A_89] : memref<16x160x128xi32, #tpu.memory_space<hbm>> -> memref<1x40x128xi32, #tpu.memory_space<hbm>>
        %dma_start3A_91 = tpu.memref_squeeze %dma_start3A_90 : memref<1x40x128xi32, #tpu.memory_space<hbm>> -> memref<40x128xi32, #tpu.memory_space<hbm>>
        %dma_start3A_92 = arith.constant 0 : i32
        %dma_start3A_93 = tpu.memref_slice %arg3[%arg1, %add3A_71, %dma_start3A_92] : memref<16x160x128xi32, #tpu.memory_space<hbm>> -> memref<1x40x128xi32, #tpu.memory_space<hbm>>
        %dma_start3A_94 = tpu.memref_squeeze %dma_start3A_93 : memref<1x40x128xi32, #tpu.memory_space<hbm>> -> memref<40x128xi32, #tpu.memory_space<hbm>>
        tpu.enqueue_dma source(%dma_start3A_94 : memref<40x128xi32, #tpu.memory_space<hbm>>) target(%arg6 : memref<40x128xi32, #tpu.memory_space<vmem>>) target_semaphore(%run_scoped3A : memref<!tpu.dma_semaphore, #tpu.memory_space<semaphore_mem>>)
        %dma_wait3A_95 = arith.constant 0 : i32
        %dma_wait3A_96 = tpu.memref_slice %arg3[%arg1, %add3A_71, %dma_wait3A_95] : memref<16x160x128xi32, #tpu.memory_space<hbm>> -> memref<1x40x128xi32, #tpu.memory_space<hbm>>
        %dma_wait3A_97 = tpu.memref_squeeze %dma_wait3A_96 : memref<1x40x128xi32, #tpu.memory_space<hbm>> -> memref<40x128xi32, #tpu.memory_space<hbm>>
        %dma_wait3A_98 = arith.constant 0 : i32
        %dma_wait3A_99 = tpu.memref_slice %arg3[%arg1, %add3A_71, %dma_wait3A_98] : memref<16x160x128xi32, #tpu.memory_space<hbm>> -> memref<1x40x128xi32, #tpu.memory_space<hbm>>
        %dma_wait3A_100 = tpu.memref_squeeze %dma_wait3A_99 : memref<1x40x128xi32, #tpu.memory_space<hbm>> -> memref<40x128xi32, #tpu.memory_space<hbm>>
        tpu.wait_dma2 semaphore(%run_scoped3A : memref<!tpu.dma_semaphore, #tpu.memory_space<semaphore_mem>>) src(%dma_wait3A_100 : memref<40x128xi32, #tpu.memory_space<hbm>>) dst(%arg6 : memref<40x128xi32, #tpu.memory_space<vmem>>)
        tpu.yield
      }) : () -> ()
      "tpu.region"() ({
        %run_scoped3A = tpu.sem_alloc : memref<!tpu.dma_semaphore, #tpu.memory_space<semaphore_mem>>
        %dma_start3A_89 = arith.constant 0 : i32
        %dma_start3A_90 = tpu.memref_slice %arg4[%arg1, %add3A_71, %dma_start3A_89] : memref<16x160x128xi32, #tpu.memory_space<hbm>> -> memref<1x40x128xi32, #tpu.memory_space<hbm>>
        %dma_start3A_91 = tpu.memref_squeeze %dma_start3A_90 : memref<1x40x128xi32, #tpu.memory_space<hbm>> -> memref<40x128xi32, #tpu.memory_space<hbm>>
        %dma_start3A_92 = arith.constant 0 : i32
        %dma_start3A_93 = tpu.memref_slice %arg4[%arg1, %add3A_71, %dma_start3A_92] : memref<16x160x128xi32, #tpu.memory_space<hbm>> -> memref<1x40x128xi32, #tpu.memory_space<hbm>>
        %dma_start3A_94 = tpu.memref_squeeze %dma_start3A_93 : memref<1x40x128xi32, #tpu.memory_space<hbm>> -> memref<40x128xi32, #tpu.memory_space<hbm>>
        tpu.enqueue_dma source(%dma_start3A_94 : memref<40x128xi32, #tpu.memory_space<hbm>>) target(%arg7 : memref<40x128xi32, #tpu.memory_space<vmem>>) target_semaphore(%run_scoped3A : memref<!tpu.dma_semaphore, #tpu.memory_space<semaphore_mem>>)
        %dma_wait3A_95 = arith.constant 0 : i32
        %dma_wait3A_96 = tpu.memref_slice %arg4[%arg1, %add3A_71, %dma_wait3A_95] : memref<16x160x128xi32, #tpu.memory_space<hbm>> -> memref<1x40x128xi32, #tpu.memory_space<hbm>>
        %dma_wait3A_97 = tpu.memref_squeeze %dma_wait3A_96 : memref<1x40x128xi32, #tpu.memory_space<hbm>> -> memref<40x128xi32, #tpu.memory_space<hbm>>
        %dma_wait3A_98 = arith.constant 0 : i32
        %dma_wait3A_99 = tpu.memref_slice %arg4[%arg1, %add3A_71, %dma_wait3A_98] : memref<16x160x128xi32, #tpu.memory_space<hbm>> -> memref<1x40x128xi32, #tpu.memory_space<hbm>>
        %dma_wait3A_100 = tpu.memref_squeeze %dma_wait3A_99 : memref<1x40x128xi32, #tpu.memory_space<hbm>> -> memref<40x128xi32, #tpu.memory_space<hbm>>
        tpu.wait_dma2 semaphore(%run_scoped3A : memref<!tpu.dma_semaphore, #tpu.memory_space<semaphore_mem>>) src(%dma_wait3A_100 : memref<40x128xi32, #tpu.memory_space<hbm>>) dst(%arg7 : memref<40x128xi32, #tpu.memory_space<vmem>>)
        tpu.yield
      }) : () -> ()
      %dma_start3A = arith.constant 0 : i32
      %dma_start3A_72 = arith.constant 0 : i32
      %dma_start3A_73 = tpu.memref_slice %arg11[%dma_start3A, %dma_start3A_72] : memref<10240x128xf32, #tpu.memory_space<vmem_shared>> -> memref<10240x128xf32, #tpu.memory_space<vmem_shared>>
      tpu.enqueue_indirect_dma source(%arg9 : memref<128x128xf32, #tpu.memory_space<vmem>>) target(%dma_start3A_73 : memref<10240x128xf32, #tpu.memory_space<vmem_shared>>) offsets(%arg8 : memref<128xi32, #tpu.memory_space<vmem>>) semaphore(%arg14 : memref<!tpu.dma_semaphore, #tpu.memory_space<semaphore_mem>>) {add = true}
      %dma_start3A_74 = arith.constant 0 : i32
      %dma_start3A_75 = arith.constant 0 : i32
      %dma_start3A_76 = tpu.memref_slice %arg11[%dma_start3A_74, %dma_start3A_75] : memref<10240x128xf32, #tpu.memory_space<vmem_shared>> -> memref<10240x128xf32, #tpu.memory_space<vmem_shared>>
      tpu.enqueue_indirect_dma source(%arg10 : memref<128x128xf32, #tpu.memory_space<vmem>>) target(%dma_start3A_76 : memref<10240x128xf32, #tpu.memory_space<vmem_shared>>) offsets(%arg8 : memref<128xi32, #tpu.memory_space<vmem>>) semaphore(%arg15 : memref<!tpu.dma_semaphore, #tpu.memory_space<semaphore_mem>>) {add = true}
      %scan3A_77 = arith.constant 0 : i32
      %scan3A_78 = arith.constant 0 : i32
      %scan3A_79 = arith.constant 20 : i32
      %scan3A_80 = arith.addi %scan3A_78, %scan3A_79 : i32
      %scan3A_81 = arith.constant 1 : i32
      %scan3A_82 = scf.for %scan3A_89 = %scan3A_78 to %scan3A_80 step %scan3A_81 iter_args(%scan3A_90 = %scan3A_77) -> (i32)  : i32 {
        %mul3A_91 = arith.constant 2 : i32
        %mul3A_92 = arith.muli %mul3A_91, %scan3A_89 : i32
        %add3A_93 = arith.constant 1 : i32
        %add3A_94 = arith.addi %mul3A_92, %add3A_93 : i32
        %dma_wait3A_95 = arith.constant 0 : i32
        %dma_wait3A_96 = arith.constant 0 : i32
        %dma_wait3A_97 = tpu.memref_slice %arg2[%dma_wait3A_95, %dma_wait3A_96] : memref<10000x128xf32, #tpu.memory_space<hbm>> -> memref<10000x128xf32, #tpu.memory_space<hbm>>
        tpu.wait_indirect_dma semaphore(%arg14 : memref<!tpu.dma_semaphore, #tpu.memory_space<semaphore_mem>>) src(%dma_wait3A_97 : memref<10000x128xf32, #tpu.memory_space<hbm>>) dst(%arg9 : memref<128x128xf32, #tpu.memory_space<vmem>>)
        %dma_start3A_98 = arith.constant 0 : i32
        %dma_start3A_99 = tpu.memref_slice %arg6[%mul3A_92, %dma_start3A_98] : memref<40x128xi32, #tpu.memory_space<vmem>> -> memref<1x128xi32, #tpu.memory_space<vmem>>
        %dma_start3A_100 = tpu.memref_squeeze %dma_start3A_99 : memref<1x128xi32, #tpu.memory_space<vmem>> -> memref<128xi32, #tpu.memory_space<vmem>>
        %dma_start3A_101 = arith.constant 0 : i32
        %dma_start3A_102 = arith.constant 0 : i32
        %dma_start3A_103 = tpu.memref_slice %arg2[%dma_start3A_101, %dma_start3A_102] : memref<10000x128xf32, #tpu.memory_space<hbm>> -> memref<10000x128xf32, #tpu.memory_space<hbm>>
        tpu.enqueue_indirect_dma source(%dma_start3A_103 : memref<10000x128xf32, #tpu.memory_space<hbm>>) target(%arg9 : memref<128x128xf32, #tpu.memory_space<vmem>>) offsets(%dma_start3A_100 : memref<128xi32, #tpu.memory_space<vmem>>) semaphore(%arg12 : memref<!tpu.dma_semaphore, #tpu.memory_space<semaphore_mem>>)
        %dma_wait3A_104 = arith.constant 0 : i32
        %dma_wait3A_105 = arith.constant 0 : i32
        %dma_wait3A_106 = tpu.memref_slice %arg2[%dma_wait3A_104, %dma_wait3A_105] : memref<10000x128xf32, #tpu.memory_space<hbm>> -> memref<10000x128xf32, #tpu.memory_space<hbm>>
        tpu.wait_indirect_dma semaphore(%arg15 : memref<!tpu.dma_semaphore, #tpu.memory_space<semaphore_mem>>) src(%dma_wait3A_106 : memref<10000x128xf32, #tpu.memory_space<hbm>>) dst(%arg10 : memref<128x128xf32, #tpu.memory_space<vmem>>)
        %dma_start3A_107 = arith.constant 0 : i32
        %dma_start3A_108 = tpu.memref_slice %arg6[%add3A_94, %dma_start3A_107] : memref<40x128xi32, #tpu.memory_space<vmem>> -> memref<1x128xi32, #tpu.memory_space<vmem>>
        %dma_start3A_109 = tpu.memref_squeeze %dma_start3A_108 : memref<1x128xi32, #tpu.memory_space<vmem>> -> memref<128xi32, #tpu.memory_space<vmem>>
        %dma_start3A_110 = arith.constant 0 : i32
        %dma_start3A_111 = arith.constant 0 : i32
        %dma_start3A_112 = tpu.memref_slice %arg2[%dma_start3A_110, %dma_start3A_111] : memref<10000x128xf32, #tpu.memory_space<hbm>> -> memref<10000x128xf32, #tpu.memory_space<hbm>>
        tpu.enqueue_indirect_dma source(%dma_start3A_112 : memref<10000x128xf32, #tpu.memory_space<hbm>>) target(%arg10 : memref<128x128xf32, #tpu.memory_space<vmem>>) offsets(%dma_start3A_109 : memref<128xi32, #tpu.memory_space<vmem>>) semaphore(%arg13 : memref<!tpu.dma_semaphore, #tpu.memory_space<semaphore_mem>>)
        %dma_wait3A_113 = arith.constant 0 : i32
        %dma_wait3A_114 = arith.constant 0 : i32
        %dma_wait3A_115 = tpu.memref_slice %arg2[%dma_wait3A_113, %dma_wait3A_114] : memref<10000x128xf32, #tpu.memory_space<hbm>> -> memref<10000x128xf32, #tpu.memory_space<hbm>>
        tpu.wait_indirect_dma semaphore(%arg12 : memref<!tpu.dma_semaphore, #tpu.memory_space<semaphore_mem>>) src(%dma_wait3A_115 : memref<10000x128xf32, #tpu.memory_space<hbm>>) dst(%arg9 : memref<128x128xf32, #tpu.memory_space<vmem>>)
        %dma_start3A_116 = arith.constant 0 : i32
        %dma_start3A_117 = tpu.memref_slice %arg7[%mul3A_92, %dma_start3A_116] : memref<40x128xi32, #tpu.memory_space<vmem>> -> memref<1x128xi32, #tpu.memory_space<vmem>>
        %dma_start3A_118 = tpu.memref_squeeze %dma_start3A_117 : memref<1x128xi32, #tpu.memory_space<vmem>> -> memref<128xi32, #tpu.memory_space<vmem>>
        %dma_start3A_119 = arith.constant 0 : i32
        %dma_start3A_120 = arith.constant 0 : i32
        %dma_start3A_121 = tpu.memref_slice %arg11[%dma_start3A_119, %dma_start3A_120] : memref<10240x128xf32, #tpu.memory_space<vmem_shared>> -> memref<10240x128xf32, #tpu.memory_space<vmem_shared>>
        tpu.enqueue_indirect_dma source(%arg9 : memref<128x128xf32, #tpu.memory_space<vmem>>) target(%dma_start3A_121 : memref<10240x128xf32, #tpu.memory_space<vmem_shared>>) offsets(%dma_start3A_118 : memref<128xi32, #tpu.memory_space<vmem>>) semaphore(%arg14 : memref<!tpu.dma_semaphore, #tpu.memory_space<semaphore_mem>>) {add = true}
        %dma_wait3A_122 = arith.constant 0 : i32
        %dma_wait3A_123 = arith.constant 0 : i32
        %dma_wait3A_124 = tpu.memref_slice %arg2[%dma_wait3A_122, %dma_wait3A_123] : memref<10000x128xf32, #tpu.memory_space<hbm>> -> memref<10000x128xf32, #tpu.memory_space<hbm>>
        tpu.wait_indirect_dma semaphore(%arg13 : memref<!tpu.dma_semaphore, #tpu.memory_space<semaphore_mem>>) src(%dma_wait3A_124 : memref<10000x128xf32, #tpu.memory_space<hbm>>) dst(%arg10 : memref<128x128xf32, #tpu.memory_space<vmem>>)
        %dma_start3A_125 = arith.constant 0 : i32
        %dma_start3A_126 = tpu.memref_slice %arg7[%add3A_94, %dma_start3A_125] : memref<40x128xi32, #tpu.memory_space<vmem>> -> memref<1x128xi32, #tpu.memory_space<vmem>>
        %dma_start3A_127 = tpu.memref_squeeze %dma_start3A_126 : memref<1x128xi32, #tpu.memory_space<vmem>> -> memref<128xi32, #tpu.memory_space<vmem>>
        %dma_start3A_128 = arith.constant 0 : i32
        %dma_start3A_129 = arith.constant 0 : i32
        %dma_start3A_130 = tpu.memref_slice %arg11[%dma_start3A_128, %dma_start3A_129] : memref<10240x128xf32, #tpu.memory_space<vmem_shared>> -> memref<10240x128xf32, #tpu.memory_space<vmem_shared>>
        tpu.enqueue_indirect_dma source(%arg10 : memref<128x128xf32, #tpu.memory_space<vmem>>) target(%dma_start3A_130 : memref<10240x128xf32, #tpu.memory_space<vmem_shared>>) offsets(%dma_start3A_127 : memref<128xi32, #tpu.memory_space<vmem>>) semaphore(%arg15 : memref<!tpu.dma_semaphore, #tpu.memory_space<semaphore_mem>>) {add = true}
        %scan3A_131 = arith.constant 0 : i32
        scf.yield %scan3A_131 : i32
      }
      %scan3A_83 = arith.constant 20 : i32
      %dma_wait3A = arith.constant 0 : i32
      %dma_wait3A_84 = arith.constant 0 : i32
      %dma_wait3A_85 = tpu.memref_slice %arg2[%dma_wait3A, %dma_wait3A_84] : memref<10000x128xf32, #tpu.memory_space<hbm>> -> memref<10000x128xf32, #tpu.memory_space<hbm>>
      tpu.wait_indirect_dma semaphore(%arg14 : memref<!tpu.dma_semaphore, #tpu.memory_space<semaphore_mem>>) src(%dma_wait3A_85 : memref<10000x128xf32, #tpu.memory_space<hbm>>) dst(%arg9 : memref<128x128xf32, #tpu.memory_space<vmem>>)
      %dma_wait3A_86 = arith.constant 0 : i32
      %dma_wait3A_87 = arith.constant 0 : i32
      %dma_wait3A_88 = tpu.memref_slice %arg2[%dma_wait3A_86, %dma_wait3A_87] : memref<10000x128xf32, #tpu.memory_space<hbm>> -> memref<10000x128xf32, #tpu.memory_space<hbm>>
      tpu.wait_indirect_dma semaphore(%arg15 : memref<!tpu.dma_semaphore, #tpu.memory_space<semaphore_mem>>) src(%dma_wait3A_88 : memref<10000x128xf32, #tpu.memory_space<hbm>>) dst(%arg10 : memref<128x128xf32, #tpu.memory_space<vmem>>)
    } else {
    }
    %eq3A_60 = arith.constant 0 : i32
    %eq3A_61 = arith.cmpi eq, %arg0, %eq3A_60 : i32
    %or3A_62 = arith.constant false
    %or3A_63 = arith.ori %eq3A_61, %or3A_62 : i1
    %convert_element_type3A_64 = arith.extui %or3A_63 : i1 to i32
    %cond3A_65 = arith.constant 0 : i32
    %cond3A_66 = arith.cmpi ne, %convert_element_type3A_64, %cond3A_65 : i32
    scf.if %cond3A_66 {
      %add3A = arith.constant 80 : i32
      %add3A_71 = arith.addi %select_n3A, %add3A : i32
      "tpu.region"() ({
        %run_scoped3A = tpu.sem_alloc : memref<!tpu.dma_semaphore, #tpu.memory_space<semaphore_mem>>
        %dma_start3A_89 = arith.constant 0 : i32
        %dma_start3A_90 = tpu.memref_slice %arg3[%arg1, %add3A_71, %dma_start3A_89] : memref<16x160x128xi32, #tpu.memory_space<hbm>> -> memref<1x40x128xi32, #tpu.memory_space<hbm>>
        %dma_start3A_91 = tpu.memref_squeeze %dma_start3A_90 : memref<1x40x128xi32, #tpu.memory_space<hbm>> -> memref<40x128xi32, #tpu.memory_space<hbm>>
        %dma_start3A_92 = arith.constant 0 : i32
        %dma_start3A_93 = tpu.memref_slice %arg3[%arg1, %add3A_71, %dma_start3A_92] : memref<16x160x128xi32, #tpu.memory_space<hbm>> -> memref<1x40x128xi32, #tpu.memory_space<hbm>>
        %dma_start3A_94 = tpu.memref_squeeze %dma_start3A_93 : memref<1x40x128xi32, #tpu.memory_space<hbm>> -> memref<40x128xi32, #tpu.memory_space<hbm>>
        tpu.enqueue_dma source(%dma_start3A_94 : memref<40x128xi32, #tpu.memory_space<hbm>>) target(%arg6 : memref<40x128xi32, #tpu.memory_space<vmem>>) target_semaphore(%run_scoped3A : memref<!tpu.dma_semaphore, #tpu.memory_space<semaphore_mem>>)
        %dma_wait3A_95 = arith.constant 0 : i32
        %dma_wait3A_96 = tpu.memref_slice %arg3[%arg1, %add3A_71, %dma_wait3A_95] : memref<16x160x128xi32, #tpu.memory_space<hbm>> -> memref<1x40x128xi32, #tpu.memory_space<hbm>>
        %dma_wait3A_97 = tpu.memref_squeeze %dma_wait3A_96 : memref<1x40x128xi32, #tpu.memory_space<hbm>> -> memref<40x128xi32, #tpu.memory_space<hbm>>
        %dma_wait3A_98 = arith.constant 0 : i32
        %dma_wait3A_99 = tpu.memref_slice %arg3[%arg1, %add3A_71, %dma_wait3A_98] : memref<16x160x128xi32, #tpu.memory_space<hbm>> -> memref<1x40x128xi32, #tpu.memory_space<hbm>>
        %dma_wait3A_100 = tpu.memref_squeeze %dma_wait3A_99 : memref<1x40x128xi32, #tpu.memory_space<hbm>> -> memref<40x128xi32, #tpu.memory_space<hbm>>
        tpu.wait_dma2 semaphore(%run_scoped3A : memref<!tpu.dma_semaphore, #tpu.memory_space<semaphore_mem>>) src(%dma_wait3A_100 : memref<40x128xi32, #tpu.memory_space<hbm>>) dst(%arg6 : memref<40x128xi32, #tpu.memory_space<vmem>>)
        tpu.yield
      }) : () -> ()
      "tpu.region"() ({
        %run_scoped3A = tpu.sem_alloc : memref<!tpu.dma_semaphore, #tpu.memory_space<semaphore_mem>>
        %dma_start3A_89 = arith.constant 0 : i32
        %dma_start3A_90 = tpu.memref_slice %arg4[%arg1, %add3A_71, %dma_start3A_89] : memref<16x160x128xi32, #tpu.memory_space<hbm>> -> memref<1x40x128xi32, #tpu.memory_space<hbm>>
        %dma_start3A_91 = tpu.memref_squeeze %dma_start3A_90 : memref<1x40x128xi32, #tpu.memory_space<hbm>> -> memref<40x128xi32, #tpu.memory_space<hbm>>
        %dma_start3A_92 = arith.constant 0 : i32
        %dma_start3A_93 = tpu.memref_slice %arg4[%arg1, %add3A_71, %dma_start3A_92] : memref<16x160x128xi32, #tpu.memory_space<hbm>> -> memref<1x40x128xi32, #tpu.memory_space<hbm>>
        %dma_start3A_94 = tpu.memref_squeeze %dma_start3A_93 : memref<1x40x128xi32, #tpu.memory_space<hbm>> -> memref<40x128xi32, #tpu.memory_space<hbm>>
        tpu.enqueue_dma source(%dma_start3A_94 : memref<40x128xi32, #tpu.memory_space<hbm>>) target(%arg7 : memref<40x128xi32, #tpu.memory_space<vmem>>) target_semaphore(%run_scoped3A : memref<!tpu.dma_semaphore, #tpu.memory_space<semaphore_mem>>)
        %dma_wait3A_95 = arith.constant 0 : i32
        %dma_wait3A_96 = tpu.memref_slice %arg4[%arg1, %add3A_71, %dma_wait3A_95] : memref<16x160x128xi32, #tpu.memory_space<hbm>> -> memref<1x40x128xi32, #tpu.memory_space<hbm>>
        %dma_wait3A_97 = tpu.memref_squeeze %dma_wait3A_96 : memref<1x40x128xi32, #tpu.memory_space<hbm>> -> memref<40x128xi32, #tpu.memory_space<hbm>>
        %dma_wait3A_98 = arith.constant 0 : i32
        %dma_wait3A_99 = tpu.memref_slice %arg4[%arg1, %add3A_71, %dma_wait3A_98] : memref<16x160x128xi32, #tpu.memory_space<hbm>> -> memref<1x40x128xi32, #tpu.memory_space<hbm>>
        %dma_wait3A_100 = tpu.memref_squeeze %dma_wait3A_99 : memref<1x40x128xi32, #tpu.memory_space<hbm>> -> memref<40x128xi32, #tpu.memory_space<hbm>>
        tpu.wait_dma2 semaphore(%run_scoped3A : memref<!tpu.dma_semaphore, #tpu.memory_space<semaphore_mem>>) src(%dma_wait3A_100 : memref<40x128xi32, #tpu.memory_space<hbm>>) dst(%arg7 : memref<40x128xi32, #tpu.memory_space<vmem>>)
        tpu.yield
      }) : () -> ()
      %dma_start3A = arith.constant 0 : i32
      %dma_start3A_72 = arith.constant 0 : i32
      %dma_start3A_73 = tpu.memref_slice %arg11[%dma_start3A, %dma_start3A_72] : memref<10240x128xf32, #tpu.memory_space<vmem_shared>> -> memref<10240x128xf32, #tpu.memory_space<vmem_shared>>
      tpu.enqueue_indirect_dma source(%arg9 : memref<128x128xf32, #tpu.memory_space<vmem>>) target(%dma_start3A_73 : memref<10240x128xf32, #tpu.memory_space<vmem_shared>>) offsets(%arg8 : memref<128xi32, #tpu.memory_space<vmem>>) semaphore(%arg14 : memref<!tpu.dma_semaphore, #tpu.memory_space<semaphore_mem>>) {add = true}
      %dma_start3A_74 = arith.constant 0 : i32
      %dma_start3A_75 = arith.constant 0 : i32
      %dma_start3A_76 = tpu.memref_slice %arg11[%dma_start3A_74, %dma_start3A_75] : memref<10240x128xf32, #tpu.memory_space<vmem_shared>> -> memref<10240x128xf32, #tpu.memory_space<vmem_shared>>
      tpu.enqueue_indirect_dma source(%arg10 : memref<128x128xf32, #tpu.memory_space<vmem>>) target(%dma_start3A_76 : memref<10240x128xf32, #tpu.memory_space<vmem_shared>>) offsets(%arg8 : memref<128xi32, #tpu.memory_space<vmem>>) semaphore(%arg15 : memref<!tpu.dma_semaphore, #tpu.memory_space<semaphore_mem>>) {add = true}
      %scan3A_77 = arith.constant 0 : i32
      %scan3A_78 = arith.constant 0 : i32
      %scan3A_79 = arith.constant 20 : i32
      %scan3A_80 = arith.addi %scan3A_78, %scan3A_79 : i32
      %scan3A_81 = arith.constant 1 : i32
      %scan3A_82 = scf.for %scan3A_89 = %scan3A_78 to %scan3A_80 step %scan3A_81 iter_args(%scan3A_90 = %scan3A_77) -> (i32)  : i32 {
        %mul3A_91 = arith.constant 2 : i32
        %mul3A_92 = arith.muli %mul3A_91, %scan3A_89 : i32
        %add3A_93 = arith.constant 1 : i32
        %add3A_94 = arith.addi %mul3A_92, %add3A_93 : i32
        %dma_wait3A_95 = arith.constant 0 : i32
        %dma_wait3A_96 = arith.constant 0 : i32
        %dma_wait3A_97 = tpu.memref_slice %arg2[%dma_wait3A_95, %dma_wait3A_96] : memref<10000x128xf32, #tpu.memory_space<hbm>> -> memref<10000x128xf32, #tpu.memory_space<hbm>>
        tpu.wait_indirect_dma semaphore(%arg14 : memref<!tpu.dma_semaphore, #tpu.memory_space<semaphore_mem>>) src(%dma_wait3A_97 : memref<10000x128xf32, #tpu.memory_space<hbm>>) dst(%arg9 : memref<128x128xf32, #tpu.memory_space<vmem>>)
        %dma_start3A_98 = arith.constant 0 : i32
        %dma_start3A_99 = tpu.memref_slice %arg6[%mul3A_92, %dma_start3A_98] : memref<40x128xi32, #tpu.memory_space<vmem>> -> memref<1x128xi32, #tpu.memory_space<vmem>>
        %dma_start3A_100 = tpu.memref_squeeze %dma_start3A_99 : memref<1x128xi32, #tpu.memory_space<vmem>> -> memref<128xi32, #tpu.memory_space<vmem>>
        %dma_start3A_101 = arith.constant 0 : i32
        %dma_start3A_102 = arith.constant 0 : i32
        %dma_start3A_103 = tpu.memref_slice %arg2[%dma_start3A_101, %dma_start3A_102] : memref<10000x128xf32, #tpu.memory_space<hbm>> -> memref<10000x128xf32, #tpu.memory_space<hbm>>
        tpu.enqueue_indirect_dma source(%dma_start3A_103 : memref<10000x128xf32, #tpu.memory_space<hbm>>) target(%arg9 : memref<128x128xf32, #tpu.memory_space<vmem>>) offsets(%dma_start3A_100 : memref<128xi32, #tpu.memory_space<vmem>>) semaphore(%arg12 : memref<!tpu.dma_semaphore, #tpu.memory_space<semaphore_mem>>)
        %dma_wait3A_104 = arith.constant 0 : i32
        %dma_wait3A_105 = arith.constant 0 : i32
        %dma_wait3A_106 = tpu.memref_slice %arg2[%dma_wait3A_104, %dma_wait3A_105] : memref<10000x128xf32, #tpu.memory_space<hbm>> -> memref<10000x128xf32, #tpu.memory_space<hbm>>
        tpu.wait_indirect_dma semaphore(%arg15 : memref<!tpu.dma_semaphore, #tpu.memory_space<semaphore_mem>>) src(%dma_wait3A_106 : memref<10000x128xf32, #tpu.memory_space<hbm>>) dst(%arg10 : memref<128x128xf32, #tpu.memory_space<vmem>>)
        %dma_start3A_107 = arith.constant 0 : i32
        %dma_start3A_108 = tpu.memref_slice %arg6[%add3A_94, %dma_start3A_107] : memref<40x128xi32, #tpu.memory_space<vmem>> -> memref<1x128xi32, #tpu.memory_space<vmem>>
        %dma_start3A_109 = tpu.memref_squeeze %dma_start3A_108 : memref<1x128xi32, #tpu.memory_space<vmem>> -> memref<128xi32, #tpu.memory_space<vmem>>
        %dma_start3A_110 = arith.constant 0 : i32
        %dma_start3A_111 = arith.constant 0 : i32
        %dma_start3A_112 = tpu.memref_slice %arg2[%dma_start3A_110, %dma_start3A_111] : memref<10000x128xf32, #tpu.memory_space<hbm>> -> memref<10000x128xf32, #tpu.memory_space<hbm>>
        tpu.enqueue_indirect_dma source(%dma_start3A_112 : memref<10000x128xf32, #tpu.memory_space<hbm>>) target(%arg10 : memref<128x128xf32, #tpu.memory_space<vmem>>) offsets(%dma_start3A_109 : memref<128xi32, #tpu.memory_space<vmem>>) semaphore(%arg13 : memref<!tpu.dma_semaphore, #tpu.memory_space<semaphore_mem>>)
        %dma_wait3A_113 = arith.constant 0 : i32
        %dma_wait3A_114 = arith.constant 0 : i32
        %dma_wait3A_115 = tpu.memref_slice %arg2[%dma_wait3A_113, %dma_wait3A_114] : memref<10000x128xf32, #tpu.memory_space<hbm>> -> memref<10000x128xf32, #tpu.memory_space<hbm>>
        tpu.wait_indirect_dma semaphore(%arg12 : memref<!tpu.dma_semaphore, #tpu.memory_space<semaphore_mem>>) src(%dma_wait3A_115 : memref<10000x128xf32, #tpu.memory_space<hbm>>) dst(%arg9 : memref<128x128xf32, #tpu.memory_space<vmem>>)
        %dma_start3A_116 = arith.constant 0 : i32
        %dma_start3A_117 = tpu.memref_slice %arg7[%mul3A_92, %dma_start3A_116] : memref<40x128xi32, #tpu.memory_space<vmem>> -> memref<1x128xi32, #tpu.memory_space<vmem>>
        %dma_start3A_118 = tpu.memref_squeeze %dma_start3A_117 : memref<1x128xi32, #tpu.memory_space<vmem>> -> memref<128xi32, #tpu.memory_space<vmem>>
        %dma_start3A_119 = arith.constant 0 : i32
        %dma_start3A_120 = arith.constant 0 : i32
        %dma_start3A_121 = tpu.memref_slice %arg11[%dma_start3A_119, %dma_start3A_120] : memref<10240x128xf32, #tpu.memory_space<vmem_shared>> -> memref<10240x128xf32, #tpu.memory_space<vmem_shared>>
        tpu.enqueue_indirect_dma source(%arg9 : memref<128x128xf32, #tpu.memory_space<vmem>>) target(%dma_start3A_121 : memref<10240x128xf32, #tpu.memory_space<vmem_shared>>) offsets(%dma_start3A_118 : memref<128xi32, #tpu.memory_space<vmem>>) semaphore(%arg14 : memref<!tpu.dma_semaphore, #tpu.memory_space<semaphore_mem>>) {add = true}
        %dma_wait3A_122 = arith.constant 0 : i32
        %dma_wait3A_123 = arith.constant 0 : i32
        %dma_wait3A_124 = tpu.memref_slice %arg2[%dma_wait3A_122, %dma_wait3A_123] : memref<10000x128xf32, #tpu.memory_space<hbm>> -> memref<10000x128xf32, #tpu.memory_space<hbm>>
        tpu.wait_indirect_dma semaphore(%arg13 : memref<!tpu.dma_semaphore, #tpu.memory_space<semaphore_mem>>) src(%dma_wait3A_124 : memref<10000x128xf32, #tpu.memory_space<hbm>>) dst(%arg10 : memref<128x128xf32, #tpu.memory_space<vmem>>)
        %dma_start3A_125 = arith.constant 0 : i32
        %dma_start3A_126 = tpu.memref_slice %arg7[%add3A_94, %dma_start3A_125] : memref<40x128xi32, #tpu.memory_space<vmem>> -> memref<1x128xi32, #tpu.memory_space<vmem>>
        %dma_start3A_127 = tpu.memref_squeeze %dma_start3A_126 : memref<1x128xi32, #tpu.memory_space<vmem>> -> memref<128xi32, #tpu.memory_space<vmem>>
        %dma_start3A_128 = arith.constant 0 : i32
        %dma_start3A_129 = arith.constant 0 : i32
        %dma_start3A_130 = tpu.memref_slice %arg11[%dma_start3A_128, %dma_start3A_129] : memref<10240x128xf32, #tpu.memory_space<vmem_shared>> -> memref<10240x128xf32, #tpu.memory_space<vmem_shared>>
        tpu.enqueue_indirect_dma source(%arg10 : memref<128x128xf32, #tpu.memory_space<vmem>>) target(%dma_start3A_130 : memref<10240x128xf32, #tpu.memory_space<vmem_shared>>) offsets(%dma_start3A_127 : memref<128xi32, #tpu.memory_space<vmem>>) semaphore(%arg15 : memref<!tpu.dma_semaphore, #tpu.memory_space<semaphore_mem>>) {add = true}
        %scan3A_131 = arith.constant 0 : i32
        scf.yield %scan3A_131 : i32
      }
      %scan3A_83 = arith.constant 20 : i32
      %dma_wait3A = arith.constant 0 : i32
      %dma_wait3A_84 = arith.constant 0 : i32
      %dma_wait3A_85 = tpu.memref_slice %arg2[%dma_wait3A, %dma_wait3A_84] : memref<10000x128xf32, #tpu.memory_space<hbm>> -> memref<10000x128xf32, #tpu.memory_space<hbm>>
      tpu.wait_indirect_dma semaphore(%arg14 : memref<!tpu.dma_semaphore, #tpu.memory_space<semaphore_mem>>) src(%dma_wait3A_85 : memref<10000x128xf32, #tpu.memory_space<hbm>>) dst(%arg9 : memref<128x128xf32, #tpu.memory_space<vmem>>)
      %dma_wait3A_86 = arith.constant 0 : i32
      %dma_wait3A_87 = arith.constant 0 : i32
      %dma_wait3A_88 = tpu.memref_slice %arg2[%dma_wait3A_86, %dma_wait3A_87] : memref<10000x128xf32, #tpu.memory_space<hbm>> -> memref<10000x128xf32, #tpu.memory_space<hbm>>
      tpu.wait_indirect_dma semaphore(%arg15 : memref<!tpu.dma_semaphore, #tpu.memory_space<semaphore_mem>>) src(%dma_wait3A_88 : memref<10000x128xf32, #tpu.memory_space<hbm>>) dst(%arg10 : memref<128x128xf32, #tpu.memory_space<vmem>>)
    } else {
    }
    %barrier3A_67 = arith.constant 0 : index
    tpu.barrier barrier_id(%barrier3A_67)
    "tpu.trace_stop"() : () -> ()
    "tpu.trace_start"() <{level = 10 : i32, message = "ph_writeout"}> : () -> ()
    %mul3A = arith.constant 640 : i32
    %mul3A_68 = arith.muli %arg1, %mul3A : i32
    %mul3A_69 = arith.constant 640 : i32
    %mul3A_70 = arith.muli %arg1, %mul3A_69 : i32
    "tpu.region"() ({
      %run_scoped3A = tpu.sem_alloc : memref<!tpu.dma_semaphore, #tpu.memory_space<semaphore_mem>>
      %dma_start3A = arith.constant 0 : i32
      %dma_start3A_71 = tpu.memref_slice %arg5[%arg0, %mul3A_70, %dma_start3A] : memref<2x10240x128xf32, #tpu.memory_space<hbm>> -> memref<1x640x128xf32, #tpu.memory_space<hbm>>
      %dma_start3A_72 = tpu.memref_squeeze %dma_start3A_71 : memref<1x640x128xf32, #tpu.memory_space<hbm>> -> memref<640x128xf32, #tpu.memory_space<hbm>>
      %dma_start3A_73 = arith.constant 0 : i32
      %dma_start3A_74 = tpu.memref_slice %arg11[%mul3A_68, %dma_start3A_73] : memref<10240x128xf32, #tpu.memory_space<vmem_shared>> -> memref<640x128xf32, #tpu.memory_space<vmem_shared>>
      tpu.enqueue_dma source(%dma_start3A_74 : memref<640x128xf32, #tpu.memory_space<vmem_shared>>) target(%dma_start3A_72 : memref<640x128xf32, #tpu.memory_space<hbm>>) target_semaphore(%run_scoped3A : memref<!tpu.dma_semaphore, #tpu.memory_space<semaphore_mem>>)
      %dma_wait3A = arith.constant 0 : i32
      %dma_wait3A_75 = tpu.memref_slice %arg5[%arg0, %mul3A_70, %dma_wait3A] : memref<2x10240x128xf32, #tpu.memory_space<hbm>> -> memref<1x640x128xf32, #tpu.memory_space<hbm>>
      %dma_wait3A_76 = tpu.memref_squeeze %dma_wait3A_75 : memref<1x640x128xf32, #tpu.memory_space<hbm>> -> memref<640x128xf32, #tpu.memory_space<hbm>>
      %dma_wait3A_77 = arith.constant 0 : i32
      %dma_wait3A_78 = tpu.memref_slice %arg11[%mul3A_68, %dma_wait3A_77] : memref<10240x128xf32, #tpu.memory_space<vmem_shared>> -> memref<640x128xf32, #tpu.memory_space<vmem_shared>>
      tpu.wait_dma2 semaphore(%run_scoped3A : memref<!tpu.dma_semaphore, #tpu.memory_space<semaphore_mem>>) src(%dma_wait3A_78 : memref<640x128xf32, #tpu.memory_space<vmem_shared>>) dst(%dma_wait3A_76 : memref<640x128xf32, #tpu.memory_space<hbm>>)
      tpu.yield
    }) : () -> ()
    "tpu.trace_stop"() : () -> ()
    return
  }
}

module attributes {stable_mosaic.version = 14 : i64} {
  func.func @_mlp_body(%arg0: i32, %arg1: memref<1000x128xf32, #tpu.memory_space<vmem>>, %arg2: memref<2x1000x128xf32, #tpu.memory_space<vmem>>, %arg3: memref<128x128xf32, #tpu.memory_space<vmem>>, %arg4: memref<1x128xf32, #tpu.memory_space<vmem>>, %arg5: memref<128x128xf32, #tpu.memory_space<vmem>>, %arg6: memref<1x128xf32, #tpu.memory_space<vmem>>, %arg7: memref<1000x128xf32, #tpu.memory_space<vmem>>) attributes {dimension_semantics = [#tpu.dimension_semantics<arbitrary>], iteration_bounds = array<i64: 10>, scalar_prefetch = 0 : i64, scratch_operands = 0 : i64, tpu.core_type = #tpu.core_type<tc>, window_params = [{transform_indices = @transform_0, window_bounds = array<i64: 1000, 128>}, {transform_indices = @transform_1, window_bounds = array<i64: 2, 1000, 128>}, {pipeline_mode = #tpu.pipeline_mode<synchronous>, transform_indices = @transform_2, window_bounds = array<i64: 128, 128>}, {pipeline_mode = #tpu.pipeline_mode<synchronous>, transform_indices = @transform_3, window_bounds = array<i64: 1, 128>}, {pipeline_mode = #tpu.pipeline_mode<synchronous>, transform_indices = @transform_4, window_bounds = array<i64: 128, 128>}, {pipeline_mode = #tpu.pipeline_mode<synchronous>, transform_indices = @transform_5, window_bounds = array<i64: 1, 128>}, {transform_indices = @transform_6, window_bounds = array<i64: 1000, 128>}]} {
    %get3A = arith.constant 0 : index
    %get3A_0 = arith.constant 0 : index
    %get3A_1 = vector.load %arg1[%get3A, %get3A_0] : memref<1000x128xf32, #tpu.memory_space<vmem>>, vector<1000x128xf32>
    %get3A_2 = arith.constant 0 : index
    %get3A_3 = arith.constant 0 : index
    %get3A_4 = arith.constant 0 : index
    %get3A_5 = vector.load %arg2[%get3A_2, %get3A_3, %get3A_4] : memref<2x1000x128xf32, #tpu.memory_space<vmem>>, vector<1x1000x128xf32>
    %get3A_6 = vector.shape_cast %get3A_5 : vector<1x1000x128xf32> to vector<1000x128xf32>
    %add3A = arith.addf %get3A_1, %get3A_6 : vector<1000x128xf32>
    %get3A_7 = arith.constant 1 : index
    %get3A_8 = arith.constant 0 : index
    %get3A_9 = arith.constant 0 : index
    %get3A_10 = vector.load %arg2[%get3A_7, %get3A_8, %get3A_9] : memref<2x1000x128xf32, #tpu.memory_space<vmem>>, vector<1x1000x128xf32>
    %get3A_11 = vector.shape_cast %get3A_10 : vector<1x1000x128xf32> to vector<1000x128xf32>
    %add3A_12 = arith.addf %add3A, %get3A_11 : vector<1000x128xf32>
    %get3A_13 = arith.constant 0 : index
    %get3A_14 = arith.constant 0 : index
    %get3A_15 = vector.load %arg3[%get3A_13, %get3A_14] : memref<128x128xf32, #tpu.memory_space<vmem>>, vector<128x128xf32>
    %dot_general3A = arith.constant dense<0.000000e+00> : vector<1000x128xf32>
    %dot_general3A_16 = tpu.matmul %add3A_12, %get3A_15, %dot_general3A {dimension_numbers = #tpu.dot_dimension_numbers<[1], [1], [0], [0], [0, 0, 1, 0], [], []>, precision = #tpu.contract_precision<fp32>, transpose_lhs_hint = false} : vector<1000x128xf32>, vector<128x128xf32>, vector<1000x128xf32> -> vector<1000x128xf32>
    %get3A_17 = arith.constant 0 : index
    %get3A_18 = arith.constant 0 : index
    %get3A_19 = vector.load %arg4[%get3A_17, %get3A_18] : memref<1x128xf32, #tpu.memory_space<vmem>>, vector<1x128xf32>
    %add3A_20 = vector.broadcast %get3A_19 : vector<1x128xf32> to vector<1000x128xf32>
    %add3A_21 = arith.addf %dot_general3A_16, %add3A_20 : vector<1000x128xf32>
    %max3A = arith.constant 0.000000e+00 : f32
    %max3A_22 = vector.broadcast %max3A : f32 to vector<1000x128xf32>
    %max3A_23 = arith.maximumf %add3A_21, %max3A_22 : vector<1000x128xf32>
    %get3A_24 = arith.constant 0 : index
    %get3A_25 = arith.constant 0 : index
    %get3A_26 = vector.load %arg5[%get3A_24, %get3A_25] : memref<128x128xf32, #tpu.memory_space<vmem>>, vector<128x128xf32>
    %dot_general3A_27 = arith.constant dense<0.000000e+00> : vector<1000x128xf32>
    %dot_general3A_28 = tpu.matmul %max3A_23, %get3A_26, %dot_general3A_27 {dimension_numbers = #tpu.dot_dimension_numbers<[1], [1], [0], [0], [0, 0, 1, 0], [], []>, precision = #tpu.contract_precision<fp32>, transpose_lhs_hint = false} : vector<1000x128xf32>, vector<128x128xf32>, vector<1000x128xf32> -> vector<1000x128xf32>
    %get3A_29 = arith.constant 0 : index
    %get3A_30 = arith.constant 0 : index
    %get3A_31 = vector.load %arg6[%get3A_29, %get3A_30] : memref<1x128xf32, #tpu.memory_space<vmem>>, vector<1x128xf32>
    %add3A_32 = vector.broadcast %get3A_31 : vector<1x128xf32> to vector<1000x128xf32>
    %add3A_33 = arith.addf %dot_general3A_28, %add3A_32 : vector<1000x128xf32>
    %max3A_34 = arith.constant 0.000000e+00 : f32
    %max3A_35 = vector.broadcast %max3A_34 : f32 to vector<1000x128xf32>
    %max3A_36 = arith.maximumf %add3A_33, %max3A_35 : vector<1000x128xf32>
    %swap3A = arith.constant 0 : index
    %swap3A_37 = arith.constant 0 : index
    %swap3A_38 = vector.load %arg7[%swap3A, %swap3A_37] : memref<1000x128xf32, #tpu.memory_space<vmem>>, vector<1000x128xf32>
    tpu.vector_store %arg7[%swap3A, %swap3A_37], %max3A_36 {strides = array<i32>} : memref<1000x128xf32, #tpu.memory_space<vmem>>, vector<1000x128xf32>,
    return
  }
  func.func @transform_0(%arg0: i32) -> (i32, i32) {
    %c0_i32 = arith.constant 0 : i32
    %c0_i32_0 = arith.constant 0 : i32
    return %arg0, %c0_i32 : i32, i32
  }
  func.func @transform_1(%arg0: i32) -> (i32, i32, i32) {
    %c0_i32 = arith.constant 0 : i32
    %c0_i32_0 = arith.constant 0 : i32
    %c0_i32_1 = arith.constant 0 : i32
    return %c0_i32, %arg0, %c0_i32_0 : i32, i32, i32
  }
  func.func @transform_2(%arg0: i32) -> (i32, i32) {
    %c0_i32 = arith.constant 0 : i32
    %c0_i32_0 = arith.constant 0 : i32
    %c0_i32_1 = arith.constant 0 : i32
    return %c0_i32, %c0_i32_0 : i32, i32
  }
  func.func @transform_3(%arg0: i32) -> (i32, i32) {
    %c0_i32 = arith.constant 0 : i32
    %c0_i32_0 = arith.constant 0 : i32
    %c0_i32_1 = arith.constant 0 : i32
    return %c0_i32, %c0_i32_0 : i32, i32
  }
  func.func @transform_4(%arg0: i32) -> (i32, i32) {
    %c0_i32 = arith.constant 0 : i32
    %c0_i32_0 = arith.constant 0 : i32
    %c0_i32_1 = arith.constant 0 : i32
    return %c0_i32, %c0_i32_0 : i32, i32
  }
  func.func @transform_5(%arg0: i32) -> (i32, i32) {
    %c0_i32 = arith.constant 0 : i32
    %c0_i32_0 = arith.constant 0 : i32
    %c0_i32_1 = arith.constant 0 : i32
    return %c0_i32, %c0_i32_0 : i32, i32
  }
  func.func @transform_6(%arg0: i32) -> (i32, i32) {
    %c0_i32 = arith.constant 0 : i32
    %c0_i32_0 = arith.constant 0 : i32
    return %arg0, %c0_i32 : i32, i32
  }
}

module attributes {stable_mosaic.version = 14 : i64} {
  func.func @_mlp_body(%arg0: i32, %arg1: memref<1000x128xf32, #tpu.memory_space<vmem>>, %arg2: memref<2x1000x128xf32, #tpu.memory_space<vmem>>, %arg3: memref<128x128xf32, #tpu.memory_space<vmem>>, %arg4: memref<1x128xf32, #tpu.memory_space<vmem>>, %arg5: memref<128x128xf32, #tpu.memory_space<vmem>>, %arg6: memref<1x128xf32, #tpu.memory_space<vmem>>, %arg7: memref<1000x128xf32, #tpu.memory_space<vmem>>) attributes {dimension_semantics = [#tpu.dimension_semantics<arbitrary>], iteration_bounds = array<i64: 10>, scalar_prefetch = 0 : i64, scratch_operands = 0 : i64, tpu.core_type = #tpu.core_type<tc>, window_params = [{transform_indices = @transform_0, window_bounds = array<i64: 1000, 128>}, {transform_indices = @transform_1, window_bounds = array<i64: 2, 1000, 128>}, {pipeline_mode = #tpu.pipeline_mode<synchronous>, transform_indices = @transform_2, window_bounds = array<i64: 128, 128>}, {pipeline_mode = #tpu.pipeline_mode<synchronous>, transform_indices = @transform_3, window_bounds = array<i64: 1, 128>}, {pipeline_mode = #tpu.pipeline_mode<synchronous>, transform_indices = @transform_4, window_bounds = array<i64: 128, 128>}, {pipeline_mode = #tpu.pipeline_mode<synchronous>, transform_indices = @transform_5, window_bounds = array<i64: 1, 128>}, {transform_indices = @transform_6, window_bounds = array<i64: 1000, 128>}]} {
    %get3A = arith.constant 0 : index
    %get3A_0 = arith.constant 0 : index
    %get3A_1 = vector.load %arg1[%get3A, %get3A_0] : memref<1000x128xf32, #tpu.memory_space<vmem>>, vector<1000x128xf32>
    %get3A_2 = arith.constant 0 : index
    %get3A_3 = arith.constant 0 : index
    %get3A_4 = arith.constant 0 : index
    %get3A_5 = vector.load %arg2[%get3A_2, %get3A_3, %get3A_4] : memref<2x1000x128xf32, #tpu.memory_space<vmem>>, vector<1x1000x128xf32>
    %get3A_6 = vector.shape_cast %get3A_5 : vector<1x1000x128xf32> to vector<1000x128xf32>
    %add3A = arith.addf %get3A_1, %get3A_6 : vector<1000x128xf32>
    %get3A_7 = arith.constant 1 : index
    %get3A_8 = arith.constant 0 : index
    %get3A_9 = arith.constant 0 : index
    %get3A_10 = vector.load %arg2[%get3A_7, %get3A_8, %get3A_9] : memref<2x1000x128xf32, #tpu.memory_space<vmem>>, vector<1x1000x128xf32>
    %get3A_11 = vector.shape_cast %get3A_10 : vector<1x1000x128xf32> to vector<1000x128xf32>
    %add3A_12 = arith.addf %add3A, %get3A_11 : vector<1000x128xf32>
    %get3A_13 = arith.constant 0 : index
    %get3A_14 = arith.constant 0 : index
    %get3A_15 = vector.load %arg3[%get3A_13, %get3A_14] : memref<128x128xf32, #tpu.memory_space<vmem>>, vector<128x128xf32>
    %dot_general3A = arith.constant dense<0.000000e+00> : vector<1000x128xf32>
    %dot_general3A_16 = tpu.matmul %add3A_12, %get3A_15, %dot_general3A {dimension_numbers = #tpu.dot_dimension_numbers<[1], [1], [0], [0], [0, 0, 1, 0], [], []>, precision = #tpu.contract_precision<fp32>, transpose_lhs_hint = false} : vector<1000x128xf32>, vector<128x128xf32>, vector<1000x128xf32> -> vector<1000x128xf32>
    %get3A_17 = arith.constant 0 : index
    %get3A_18 = arith.constant 0 : index
    %get3A_19 = vector.load %arg4[%get3A_17, %get3A_18] : memref<1x128xf32, #tpu.memory_space<vmem>>, vector<1x128xf32>
    %add3A_20 = vector.broadcast %get3A_19 : vector<1x128xf32> to vector<1000x128xf32>
    %add3A_21 = arith.addf %dot_general3A_16, %add3A_20 : vector<1000x128xf32>
    %max3A = arith.constant 0.000000e+00 : f32
    %max3A_22 = vector.broadcast %max3A : f32 to vector<1000x128xf32>
    %max3A_23 = arith.maximumf %add3A_21, %max3A_22 : vector<1000x128xf32>
    %get3A_24 = arith.constant 0 : index
    %get3A_25 = arith.constant 0 : index
    %get3A_26 = vector.load %arg5[%get3A_24, %get3A_25] : memref<128x128xf32, #tpu.memory_space<vmem>>, vector<128x128xf32>
    %dot_general3A_27 = arith.constant dense<0.000000e+00> : vector<1000x128xf32>
    %dot_general3A_28 = tpu.matmul %max3A_23, %get3A_26, %dot_general3A_27 {dimension_numbers = #tpu.dot_dimension_numbers<[1], [1], [0], [0], [0, 0, 1, 0], [], []>, precision = #tpu.contract_precision<fp32>, transpose_lhs_hint = false} : vector<1000x128xf32>, vector<128x128xf32>, vector<1000x128xf32> -> vector<1000x128xf32>
    %get3A_29 = arith.constant 0 : index
    %get3A_30 = arith.constant 0 : index
    %get3A_31 = vector.load %arg6[%get3A_29, %get3A_30] : memref<1x128xf32, #tpu.memory_space<vmem>>, vector<1x128xf32>
    %add3A_32 = vector.broadcast %get3A_31 : vector<1x128xf32> to vector<1000x128xf32>
    %add3A_33 = arith.addf %dot_general3A_28, %add3A_32 : vector<1000x128xf32>
    %reduce_max3A = arith.constant dense<0xFF800000> : vector<1000xf32>
    %reduce_max3A_34 = vector.multi_reduction <maximumf>, %add3A_33, %reduce_max3A [1] : vector<1000x128xf32> to vector<1000xf32>
    %broadcast_in_dim3A = vector.shape_cast %reduce_max3A_34 : vector<1000xf32> to vector<1000x1xf32>
    %sub3A = vector.broadcast %broadcast_in_dim3A : vector<1000x1xf32> to vector<1000x128xf32>
    %sub3A_35 = arith.subf %add3A_33, %sub3A : vector<1000x128xf32>
    %exp3A = math.exp %sub3A_35 : vector<1000x128xf32>
    %reduce_sum3A = arith.constant dense<0.000000e+00> : vector<1000xf32>
    %reduce_sum3A_36 = vector.multi_reduction <add>, %exp3A, %reduce_sum3A [1] : vector<1000x128xf32> to vector<1000xf32>
    %broadcast_in_dim3A_37 = vector.shape_cast %reduce_sum3A_36 : vector<1000xf32> to vector<1000x1xf32>
    %log3A = math.log %broadcast_in_dim3A_37 : vector<1000x1xf32>
    %add3A_38 = arith.addf %log3A, %broadcast_in_dim3A : vector<1000x1xf32>
    %sub3A_39 = vector.broadcast %add3A_38 : vector<1000x1xf32> to vector<1000x128xf32>
    %sub3A_40 = arith.subf %add3A_33, %sub3A_39 : vector<1000x128xf32>
    %swap3A = arith.constant 0 : index
    %swap3A_41 = arith.constant 0 : index
    %swap3A_42 = vector.load %arg7[%swap3A, %swap3A_41] : memref<1000x128xf32, #tpu.memory_space<vmem>>, vector<1000x128xf32>
    tpu.vector_store %arg7[%swap3A, %swap3A_41], %sub3A_40 {strides = array<i32>} : memref<1000x128xf32, #tpu.memory_space<vmem>>, vector<1000x128xf32>,
    return
  }
  func.func @transform_0(%arg0: i32) -> (i32, i32) {
    %c0_i32 = arith.constant 0 : i32
    %c0_i32_0 = arith.constant 0 : i32
    return %arg0, %c0_i32 : i32, i32
  }
  func.func @transform_1(%arg0: i32) -> (i32, i32, i32) {
    %c0_i32 = arith.constant 0 : i32
    %c0_i32_0 = arith.constant 0 : i32
    %c0_i32_1 = arith.constant 0 : i32
    return %c0_i32, %arg0, %c0_i32_0 : i32, i32, i32
  }
  func.func @transform_2(%arg0: i32) -> (i32, i32) {
    %c0_i32 = arith.constant 0 : i32
    %c0_i32_0 = arith.constant 0 : i32
    %c0_i32_1 = arith.constant 0 : i32
    return %c0_i32, %c0_i32_0 : i32, i32
  }
  func.func @transform_3(%arg0: i32) -> (i32, i32) {
    %c0_i32 = arith.constant 0 : i32
    %c0_i32_0 = arith.constant 0 : i32
    %c0_i32_1 = arith.constant 0 : i32
    return %c0_i32, %c0_i32_0 : i32, i32
  }
  func.func @transform_4(%arg0: i32) -> (i32, i32) {
    %c0_i32 = arith.constant 0 : i32
    %c0_i32_0 = arith.constant 0 : i32
    %c0_i32_1 = arith.constant 0 : i32
    return %c0_i32, %c0_i32_0 : i32, i32
  }
  func.func @transform_5(%arg0: i32) -> (i32, i32) {
    %c0_i32 = arith.constant 0 : i32
    %c0_i32_0 = arith.constant 0 : i32
    %c0_i32_1 = arith.constant 0 : i32
    return %c0_i32, %c0_i32_0 : i32, i32
  }
  func.func @transform_6(%arg0: i32) -> (i32, i32) {
    %c0_i32 = arith.constant 0 : i32
    %c0_i32_0 = arith.constant 0 : i32
    return %arg0, %c0_i32 : i32, i32
  }
}

</mosaic_0001>

<sc_bundles>
// kernel: kernel.6.cloned.1.call-start
scs
__scs_entry_jumppad:
0x0: {  	(pc) =	sbr.rel $0x88, $3  }
0x1: {  	(tag) =	ssettag $0x0;
	lr =	simm.s32 $0x1  }
0x2: {  	[smem:$0x3F97] =	sst lr;
	_ =	strace $0xD0000000  }
0x3: {  	_ = 	snop  }
0x4: {  	_ = 	snop  }
0x5: {  	_ = 	snop  }
0x6: {  	_ = 	snop  }
0x7: {  	_ = 	snop  }
__scs_overlays_trampoline_lowered:
0x8: {  	[smem:$0x3FA6] =	sst s0  }
0x9: {  	[smem:$0x3FA7] =	sst s1  }
0xa: {  	[smem:$0x3FA8] =	sst s2  }
0xb: {  	[smem:$0x3FA9] =	sst s3  }
0xc: {  	[smem:$0x3FAA] =	sst s4  }
0xd: {  	[smem:$0x3FAB] =	sst s5  }
0xe: {  	[smem:$0x3FAC] =	sst s6  }
0xf: {  	[smem:$0x3FAD] =	sst s7  }
0x10: {  	[smem:$0x3FAE] =	sst s8  }
0x11: {  	[smem:$0x3FAF] =	sst s9;
	s0 =	simm.s32 @!p0 $0x0  }
0x12: {  	s1 =	sld [smem:$0x3F95];
	s0 =	simm.s32 @p0 $0x1  }
0x13: {  	[smem:$0x3FB0] =	sst s0;
	s0 =	simm.s32 @!p1 $0x0  }
0x14: {  	s2 =	sld [smem:$0x3F94];
	s0 =	simm.s32 @p1 $0x1  }
0x15: {  	[smem:$0x3FB1] =	sst s0;
	s0 =	simm.s32 @!p2 $0x0  }
0x16: {  	s3 =	sld [smem:$0x3FDB];
	s0 =	simm.s32 @p2 $0x1  }
0x17: {  	s4 =	simm.s32 $0x1BF5;
	[smem:$0x3FB3] =	sst s0  }
0x18: {  	s0 =	sld [smem:$0x3F96];
	_ =	swait.ge [sflag:s4], $0x0  }
0x19: {  	s7 =	sld [smem:$0x3F97]  }
0x1a: {  	s8 =	sadd.s32 $0xFFFFE003, lr  }
0x1b: {  	s9 =	sadd.s32 $0xFFFFFEF7, lr;
	s5 =	simm.s32 $0xFFFFFFFF;
	p2 =	slt.u32 s8, $0xFFFFF086  }
0x1c: {  	p1 =	slt.u32 s9, $0xF7A;
	s5 =	simm.s32 @!p2 $0x0  }
0x1d: {  	s5 =	simm.s32 @p1 $0x1;
	p0 =	seq.s32 s7, s2  }
0x1e: {  	s7 =	smul.u32 @!p0 $0xF7A, s2;
	p2 =	seq.s32 @!p0 s5, $0x0  }
0x1f: {  	s9 =	smul.u32 $0xF7A, s1;
	s8 =	simm.s32 @!p0 $0x1BF5;
	p2 =	por !p2, p0  }
0x20: {  	[sflag:s8] =	ssyncset.s32 @!p0 $0xFFFFF086;
	s6 =	sadd.s32 @!p0 s3, s7;
	s7 =	simm.s32 @!p0 $0x108  }
0x21: {  	s3 =	sadd.s32 s3, s9;
	s6 =	sadd.s32 @!p0 $0x88, s6;
	s7 =	simm.s32 @p2 $0x1082  }
0x22: {  	[simem:s7], [sflag:s8] =	dma.local @!p0 [hbm:s6], $0xF7A  }
0x23: {  	s9 =	sor.u32 $0xD0000000, s2;
	s6 =	simm.s32 $0x108;
	_ =	swait.ge @!p0 [sflag:s8], $0x0  }
0x24: {  	s3 =	sadd.s32 $0x88, s3;
	s6 =	simm.s32 @!p1 $0x1082;
	[sflag:s4] =	ssyncset.s32 $0xFFFFF086  }
0x25: {  	[simem:s6], [sflag:s4] =	dma.local [hbm:s3], $0xF7A  }
0x26: {  	[smem:$0x3F97] =	sst s1;
	(tag) =	ssettag s2;
	_ =	strace s9  }
0x27: {  	s1 =	sld [smem:$0x3FA7]  }
0x28: {  	s2 =	sld [smem:$0x3FA8]  }
0x29: {  	s4 =	sld [smem:$0x3FAA]  }
0x2a: {  	p0 =	seq.s32 s5, $0x0;
	s5 =	sld [smem:$0x3FAB]  }
0x2b: {  	s6 =	sld [smem:$0x3FAC]  }
0x2c: {  	s7 =	sld [smem:$0x3FAD]  }
0x2d: {  	s3 =	simm.s32 $0x108;
	s8 =	sld [smem:$0x3FAE]  }
0x2e: {  	s3 =	simm.s32 @!p0 $0x1082;
	s9 =	sld [smem:$0x3FAF]  }
0x2f: {  	lr =	sadd.s32 s0, s3;
	s0 =	sld [smem:$0x3FA6]  }
0x30: {  	s3 =	sld [smem:$0x3FA9]  }
0x31: {  	[smem:$0x3FB2] =	sst s10  }
0x32: {  	s10 =	sld [smem:$0x3FB0];
	_ =	sdelay $0x3  }
0x33: {  	p0 =	seq.s32 s10, $0x1;
	s10 =	sld [smem:$0x3FB2];
	_ =	sdelay $0x3  }
0x34: {  	[smem:$0x3FB2] =	sst s10  }
0x35: {  	s10 =	sld [smem:$0x3FB1];
	_ =	sdelay $0x3  }
0x36: {  	p1 =	seq.s32 s10, $0x1;
	s10 =	sld [smem:$0x3FB2];
	_ =	sdelay $0x3  }
0x37: {  	[smem:$0x3FB2] =	sst s10  }
0x38: {  	s10 =	sld [smem:$0x3FB3]  }
0x39: {  	_ = 	snop;
	(pc) =	sbr.ind lr, $3  }
0x3a: {  	_ = 	snop  }
0x3b: {  	_ = 	snop  }
0x3c: {  	p2 =	seq.s32 s10, $0x1;
	s10 =	sld [smem:$0x3FB2]  }
0x3d: {  	_ =	shalt  }
0x3e: {  	_ =	shalt  }
0x3f: {  	_ =	shalt  }
0x40: {  	_ =	shalt  }
0x41: {  	_ =	shalt  }
0x42: {  	_ =	shalt  }
0x43: {  	_ =	shalt  }
0x44: {  	_ =	shalt  }
0x45: {  	_ =	shalt  }
0x46: {  	_ =	shalt  }
0x47: {  	_ =	shalt  }
0x48: {  	_ =	shalt  }
0x49: {  	_ =	shalt  }
0x4a: {  	_ =	shalt  }
0x4b: {  	_ =	shalt  }
0x4c: {  	_ =	shalt  }
0x4d: {  	_ =	shalt  }
0x4e: {  	_ =	shalt  }
0x4f: {  	_ =	shalt  }
0x50: {  	_ =	shalt  }
0x51: {  	_ =	shalt  }
0x52: {  	_ =	shalt  }
0x53: {  	_ =	shalt  }
0x54: {  	_ =	shalt  }
0x55: {  	_ =	shalt  }
0x56: {  	_ =	shalt  }
0x57: {  	_ =	shalt  }
0x58: {  	_ =	shalt  }
0x59: {  	_ =	shalt  }
0x5a: {  	_ =	shalt  }
0x5b: {  	_ =	shalt  }
0x5c: {  	_ =	shalt  }
0x5d: {  	_ =	shalt  }
0x5e: {  	_ =	shalt  }
0x5f: {  	_ =	shalt  }
0x60: {  	_ =	shalt  }
0x61: {  	_ =	shalt  }
0x62: {  	_ =	shalt  }
0x63: {  	_ =	shalt  }
0x64: {  	_ =	shalt  }
0x65: {  	_ =	shalt  }
0x66: {  	_ =	shalt  }
0x67: {  	_ =	shalt  }
0x68: {  	_ =	shalt  }
0x69: {  	_ =	shalt  }
0x6a: {  	_ =	shalt  }
0x6b: {  	_ =	shalt  }
0x6c: {  	_ =	shalt  }
0x6d: {  	_ =	shalt  }
0x6e: {  	_ =	shalt  }
0x6f: {  	_ =	shalt  }
0x70: {  	_ =	shalt  }
0x71: {  	_ =	shalt  }
0x72: {  	_ =	shalt  }
0x73: {  	_ =	shalt  }
0x74: {  	_ =	shalt  }
0x75: {  	_ =	shalt  }
0x76: {  	_ =	shalt  }
0x77: {  	_ =	shalt  }
0x78: {  	_ =	shalt  }
0x79: {  	_ =	shalt  }
0x7a: {  	_ =	shalt  }
0x7b: {  	_ =	shalt  }
0x7c: {  	_ =	shalt  }
0x7d: {  	_ =	shalt  }
0x7e: {  	_ =	shalt  }
0x7f: {  	_ =	shalt  }
0x80: {  	_ =	shalt  }
0x81: {  	_ =	shalt  }
0x82: {  	_ =	shalt  }
0x83: {  	_ =	shalt  }
0x84: {  	_ =	shalt  }
0x85: {  	_ =	shalt  }
0x86: {  	_ =	shalt  }
0x87: {  	_ =	shalt  }
.Lfunc_end0:
.L_simem_size_0:
called_computation_lowered:
.L_overlay_start_0:
0x88: {  	s2 =	sld [smem:$0x3FD9]  }
0x89: {  	s3 =	sld [smem:$0x3FFE];
	_ =	sdelay $0x1  }
0x8a: {  	s1 =	srdreg.scid  }
0x8b: {  	s0 =	sand.u32 $0x1, s1  }
0x8c: {  	s17 =	sshll.u32 s0, $0xA;
	s2 =	sadd.s32 s3, s2  }
0x8d: {  	s2 =	sadd.s32 s2, s17  }
0x8e: {  	[smem:$0x3FBE] =	sst s2  }
0x8f: {  	_ = 	snop  }
0x90: {  	s2 =	sld [smem:$0x3FC9];
	(tm) =	ssettm $0x1  }
0x91: {  	s18 =	sld [smem:$0x3FFB];
	_ =	sdelay $0x3  }
0x92: {  	_ =	strace s18  }
0x93: {  	s3 =	sld [smem:$0x3FFC];
	_ =	sdelay $0x3  }
0x94: {  	_ =	strace s3  }
0x95: {  	s3 =	sld [smem:$0x3FFD];
	_ =	sdelay $0x3  }
0x96: {  	_ =	strace s3  }
0x97: {  	_ =	strace $0x8FFFFFFF  }
0x98: {  	s19 =	sld [smem:$0x3FDB];
	_ =	sdelay $0x1  }
0x99: {  	s4 =	simm.s32 $_scs_section_size  }
0x9a: {  	s5 =	simm.s32 $_size__tile_overlayer_lowered;
	s6 =	simm.s32 $_tile_overlayer_lowered  }
0x9b: {  	s22 =	simm.s32 $0x1BFF;
	s21 =	sshll.u32 s6, $0x1;
	s3 =	sadd.s32 s4, s19  }
0x9c: {  	s7 =	simm.s32 $0x0;
	s20 =	sshll.u32 s5, $0x1;
	s5 =	sadd.s32 s21, s3  }
0x9d: {  	[timem:s7], [sflag:s22] =	dma.local [hbm:s5], s20  }
0x9e: {  	_ =	swait.ge [sflag:s22], s20  }
0x9f: {  	s4 =	ssub.s32 $0x0, s20;
	[sflag:s22] =	ssyncset.done $0x0  }
0xa0: {  	[sflag:s22] =	ssyncadd.s32 s4;
	_ =	sdelay $0x1  }
0xa1: {  	s23 =	simm.s32 $0x1B8B  }
0xa2: {  	_ =	swait.ge [sflag:s23], $0x1  }
0xa3: {  	[sflag:s23] =	ssyncset.done $0x0  }
0xa4: {  	s25 =	simm.s32 $0x1B8E;
	s24 =	sld [smem:$0x3FFE];
	[sflag:s23] =	ssyncadd.s32 $0xFFFFFFFF  }
0xa5: {  	s26 =	simm.s32 $execute0_lowered;
	[smem:$0x3FD2] =	sst s25  }
0xa6: {  	s5 =	sshll.u32 s26, $0x1;
	_ =	strace $0x80000046;
	[dreg:$0x1] =	wrdreg $0xFFFFFFFF  }
0xa7: {  	s28 =	simm.s32 $_size_execute0_lowered;
	s3 =	sadd.s32 s3, s5;
	[dreg:$0x0] =	wrdreg $0x0  }
0xa8: {  	s5 =	sshll.u32 s28, $0x1;
	[dreg:$0x2] =	wrdreg s3  }
0xa9: {  	[dreg:$0x3] =	wrdreg s5  }
0xaa: {  	[dreg:$0x4] =	wrdreg $0xC0  }
0xab: {  	_ =	task [dreg:s7], $0x5FFFF  }
0xac: {  	[dreg:$0x1] =	wrdreg $0xFFFFFFFF  }
0xad: {  	[dreg:$0x0] =	wrdreg $0x60  }
0xae: {  	[dreg:$0x2] =	wrdreg s2  }
0xaf: {  	[dreg:$0x3] =	wrdreg s24  }
0xb0: {  	[dreg:$0x4] =	wrdreg $0xA8800  }
0xb1: {  	[dreg:$0x5] =	wrdreg $0x9  }
0xb2: {  	_ =	task.clear_ibuf [dreg:s7], $0x6FFFF;
	_ =	strace $0x90000046  }
0xb3: {  	s29 =	simm.s32 $0x9;
	_ =	strace $0x8000004B  }
0xb4: {  	_ =	swait.ge [sflag:s29], $0x1  }
0xb5: {  	[sflag:s29] =	ssyncadd.s32 $0xFFFFFFFF  }
0xb6: {  	_ =	strace $0x9000004B  }
0xb7: {  	_ =	sfence  }
0xb8: {  	s30 =	sld [smem:$0x0];
	_ =	sdelay $0x2  }
0xb9: {  	s31 =	sshll.u32 s1, $0xD;
	s1 =	sshrl.u32 s1, $0x2  }
0xba: {  	s3 =	sand.u32 $0x4000, s31;
	s1 =	sadd.s32 s1, s30  }
0xbb: {  	s0 =	sor.u32 s3, s0;
	s1 =	sshll.u32 s1, $0x11  }
0xbc: {  	s0 =	sor.u32 s1, s0  }
0xbd: {  	s0 =	sadd.s32 $0x8F2B, s0  }
0xbe: {  	[sflag:s0] =	ssyncadd.remote.s32 $0x1  }
0xbf: {  	_ =	sfence.sel $0xFFFF  }
0xc0: {  	[dreg:$0x0] =	wrdreg $0xFFFFFFFF;
	(pc) =	sbr.abs _section_cstart, $3  }
0xc1: {  	[dreg:$0x1] =	wrdreg $0xFFFFFFFF  }
0xc2: {  	_ =	task.clear_ibuf [dreg:s7], $0x2FFFF;
	_ =	strace $0x9FFFFFFF  }
0xc3: {  	(tm) =	ssettm $0x7FFFFFFF  }
tec
execute0_lowered:
.L_overlay_start_1:
0x0: {  	(tag) =	ssettag $0x1  }
0x1: {  	s1 =	rddreg [dreg:$0x0]  }
0x2: {  	s0 =	rddreg [dreg:$0x1]  }
0x3: {  	s2 =	rddreg [dreg:$0x2];
	s3 =	srdreg.scid  }
0x4: {  	s4 =	simm.s32 $0x0;
	s18 =	simm.s32 $0x2880;
	s19 =	simm.s32 $0x5  }
0x5: {  	s20 =	simm.s32 $0x1400;
	s21 =	simm.s32 $0x80;
	s22 =	simm.s32 $0x2800  }
0x6: {  	s28 =	simm.s32 $0x2;
	s25 =	sand.u32 $0x1, s3;
	s3 =	stileid.u32  }
0x7: {  	s29 =	simm.s32 $0x0;
	[smem:$0x7FF] =	sst s4;
	s5 =	smul.u32 $0x140000, s25  }
0x8: {  	s10 =	sadd.s32 $0xC000, s0;
	s11 =	sadd.s32 $0x2000, s0;
	s6 =	smul.u32 $0x14000, s3  }
0x9: {  	_ =	strace $0x80000047;
	s23 =	ssub.s32 $0x0, s25;
	s7 =	smul.u32 $0x5000, s3  }
0xa: {  	s8 =	ssub.s32 $0x2, s25;
	s9 =	smul.u32 $0x50000, s3;
	p0 =	sne.s32 s25, $0x0  }
0xb: {  	s25 =	simm.s32 $0x4;
	s24 =	sshrl.u32 s8, $0x1;
	s5 =	sadd.s32 s6, s5  }
0xc: {  	s6 =	sand.u32 $0x3C00, s23;
	s13 =	ssub.s32 s8, s24;
	s26 =	sshrl.u32 s9, $0x2  }
0xd: {  	s23 =	simm.s32 $0x6880;
	s24 =	simm.s32 $0x3;
	s5 =	sshrl.u32 s5, $0x3  }
0xe: {  	s6 =	sadd.s32 s7, s6;
	s13 =	smax.u32 s13, $0x1;
	s0 =	sadd.s32 s5, s0  }
0xf: {  	s30 =	sshrl.u32 s6, $0x3;
	s5 =	sadd.s32 s26, s2;
	s26 =	simm.s32 $0x1  }
.Ltmp0:
0x10: {  	s6 =	sadd.s32 s10, s30;
	s12 =	sadd.s32 $0x280, s30;
	(pc) =	sbr.rel .LBB2_1-.Ltmp0, $4  }
0x11: {  	s7 =	sadd.s32 s11, s30;
	s14 =	sadd.s32 $0x500, s30;
	s15 =	sadd.s32 $0x8000, s5  }
0x12: {  	s16 =	sadd.s32 $0xC000, s5;
	s17 =	sadd.s32 $0x10000, s5;
	s31 =	sadd.s32 s10, s12  }
0x13: {  	s9 =	sadd.s32 s11, s12;
	s10 =	sadd.s32 s10, s14;
	s11 =	sadd.s32 s11, s14  }
0x14: {  	v0 =	vimm.f32 $0.0e+00;
	v1 =	vimm.s32 $0x27FF;
	s12 =	sadd.s32 $0x16000, s0;
	s14 =	sadd.s32 $0x4000, s5;
	[dreg:$0x4] =	wrdreg s31  }
.LBB2_10:
0x15: {  	[spmem:s2] =	stream.indirect.scatter.add.f32 [tilespmem:s23], [sflag:$0x4], $0x80, s0, s21, $0x2000b8;
	[tilespmem:$0x1E880] =	vst v63  }
0x16: {  	_ =	swait.ge [sflag:s24], $0x4000  }
0x17: {  	[sflag:s24] =	ssyncset.done $0x0  }
0x18: {  	[sflag:s24] =	ssyncadd.s32 $0xFFFFC000  }
0x19: {  	_ =	swait.ge [sflag:s25], $0x4000  }
0x1a: {  	[sflag:s25] =	ssyncset.done $0x0  }
0x1b: {  	[sflag:s25] =	ssyncadd.s32 $0xFFFFC000  }
.LBB2_11:
0x1c: {  	[bflag:$0x0] =	sbarrier.arrive $0xFFFF;
	s0 =	sshll.u32 s3, $0x6  }
0x1d: {  	s8 =	sshrl.u32 s5, $0x3;
	s29 =	sadd.s32 $0x1, s29;
	_ =	strace $0x90000049  }
0x1e: {  	s0 =	sor.u32 $0x1C05, s0;
	p1 =	sne.s32 s29, s13;
	_ =	strace $0x8000004A  }
0x1f: {  	[hbm:s12], [sflag:s0] =	dma.local [spmem:s8], $0x2800  }
.Ltmp1:
0x20: {  	_ = 	snop;
	(pc) =	sbr.rel @!p1 .LBB2_12-.Ltmp1, $4  }
0x21: {  	_ =	swait.ge [sflag:s19], $0x2800  }
0x22: {  	[sflag:s19] =	ssyncset.done $0x0  }
0x23: {  	[sflag:s19] =	ssyncadd.s32 $0xFFFFD800  }
0x24: {  	_ =	strace $0x9000004A  }
.LBB2_1:
0x25: {  	s0 =	sand.u32 $0xFE00, s4  }
0x26: {  	s31 =	sand.u32 $0x70, s4;
	s0 =	sshrl.u32 s0, $0x2  }
0x27: {  	s30 =	simm.s32 $0x40;
	s0 =	sor.u32 s31, s0;
	s31 =	simm.s32 $0x0  }
.LBB2_2:
0x28: {  	p1 =	sne.s32 s30, $0xFFC0  }
0x29: {  	[tilespmem:s0+$0x2880] =	vst v0;
	s31 =	sadd.s32 $0x10, s31;
	s0 =	smov.u32 s30;
	s30 =	sadd.s32 $0x40, s30  }
.Ltmp2:
0x2a: {  	(pc) =	sbr.rel @p1 .LBB2_2-.Ltmp2, $4  }
0x2b: {  	_ = 	snop  }
0x2c: {  	s0 =	sand.u32 $0xFE00, s0  }
0x2d: {  	s8 =	sand.u32 $0x70, s31;
	s0 =	sshrl.u32 s0, $0x2  }
0x2e: {  	s0 =	sor.u32 s8, s0  }
0x2f: {  	[tilespmem:s0+$0x2880] =	vst v0  }
0x30: {  	[tilespmem:$0x2800] =	vst v1  }
0x31: {  	[tilespmem:$0x2810] =	vst v1  }
0x32: {  	[tilespmem:$0x2820] =	vst v1  }
0x33: {  	[tilespmem:$0x2830] =	vst v1  }
0x34: {  	[tilespmem:$0x2840] =	vst v1  }
0x35: {  	[tilespmem:$0x2850] =	vst v1  }
0x36: {  	[tilespmem:$0x2860] =	vst v1  }
0x37: {  	[tilespmem:$0x2870] =	vst v1  }
0x38: {  	_ =	strace $0x80000048  }
0x39: {  	[spmem:s5] =	stream.linear.scatter [tilespmem:s18], [sflag:$0x5], $0x4000, $0x200038;
	[tilespmem:$0x1E880] =	vst v63  }
0x3a: {  	_ =	swait.ge [sflag:s19], $0x4000  }
0x3b: {  	[sflag:s19] =	ssyncset.done $0x0  }
0x3c: {  	[sflag:s19] =	ssyncadd.s32 $0xFFFFC000  }
0x3d: {  	[spmem:s14] =	stream.linear.scatter [tilespmem:s18], [sflag:$0x5], $0x4000, $0x200038;
	[tilespmem:$0x1E880] =	vst v63  }
0x3e: {  	_ =	swait.ge [sflag:s19], $0x4000  }
0x3f: {  	[sflag:s19] =	ssyncset.done $0x0  }
0x40: {  	[sflag:s19] =	ssyncadd.s32 $0xFFFFC000  }
0x41: {  	[spmem:s15] =	stream.linear.scatter [tilespmem:s18], [sflag:$0x5], $0x4000, $0x200038;
	[tilespmem:$0x1E880] =	vst v63  }
0x42: {  	_ =	swait.ge [sflag:s19], $0x4000  }
0x43: {  	[sflag:s19] =	ssyncset.done $0x0  }
0x44: {  	[sflag:s19] =	ssyncadd.s32 $0xFFFFC000  }
0x45: {  	[spmem:s16] =	stream.linear.scatter [tilespmem:s18], [sflag:$0x5], $0x4000, $0x200038;
	[tilespmem:$0x1E880] =	vst v63  }
0x46: {  	_ =	swait.ge [sflag:s19], $0x4000  }
0x47: {  	[sflag:s19] =	ssyncset.done $0x0  }
0x48: {  	[sflag:s19] =	ssyncadd.s32 $0xFFFFC000  }
0x49: {  	[spmem:s17] =	stream.linear.scatter [tilespmem:s18], [sflag:$0x5], $0x4000, $0x200038;
	[tilespmem:$0x1E880] =	vst v63  }
0x4a: {  	_ =	swait.ge [sflag:s19], $0x4000  }
0x4b: {  	[sflag:s19] =	ssyncset.done $0x0  }
0x4c: {  	[sflag:s19] =	ssyncadd.s32 $0xFFFFC000  }
0x4d: {  	[bflag:$0x0] =	sbarrier.arrive $0xFFFF  }
0x4e: {  	_ =	strace $0x90000048  }
0x4f: {  	s8 =	simm.s32 $0x0;
	_ =	strace $0x80000049  }
0x50: {  	[tilespmem:s8], [sflag:$0x5] =	stream.linear.gather [hbm4b:s6+s8], $0x1400, $0x200038;
	[tilespmem:$0x1E880] =	vst v63  }
0x51: {  	_ =	swait.ge [sflag:s19], $0x1400  }
0x52: {  	[sflag:s19] =	ssyncset.done $0x0  }
0x53: {  	[sflag:s19] =	ssyncadd.s32 $0xFFFFEC00  }
0x54: {  	[tilespmem:s20], [sflag:$0x5] =	stream.linear.gather [hbm4b:s7+s8], $0x1400, $0x200038;
	[tilespmem:$0x1E880] =	vst v63  }
0x55: {  	_ =	swait.ge [sflag:s19], $0x1400  }
0x56: {  	[sflag:s19] =	ssyncset.done $0x0  }
0x57: {  	[sflag:s19] =	ssyncadd.s32 $0xFFFFEC00  }
0x58: {  	[spmem:s2] =	stream.indirect.scatter.add.f32 [tilespmem:s18], [sflag:$0x3], $0x80, s22, s21, $0x2000b8;
	[tilespmem:$0x1E880] =	vst v63  }
0x59: {  	_ = 	snop  }
0x5a: {  	[spmem:s2] =	stream.indirect.scatter.add.f32 [tilespmem:s23], [sflag:$0x4], $0x80, s22, s21, $0x2000b8;
	[tilespmem:$0x1E880] =	vst v63  }
0x5b: {  	_ =	swait.ge [sflag:s24], $0x4000  }
0x5c: {  	[sflag:s24] =	ssyncset.done $0x0  }
0x5d: {  	s31 =	simm.s32 $0x0;
	[sflag:s24] =	ssyncadd.s32 $0xFFFFC000  }
0x5e: {  	[tilespmem:s18], [sflag:$0x1] =	stream.indirect.gather [hbm4b:s1+s21], $0x80, s31, s21, $0x2000b8;
	[tilespmem:$0x1E880] =	vst v63  }
0x5f: {  	_ =	swait.ge [sflag:s25], $0x4000  }
0x60: {  	[sflag:s25] =	ssyncset.done $0x0  }
0x61: {  	s8 =	simm.s32 $0x80;
	[sflag:s25] =	ssyncadd.s32 $0xFFFFC000  }
0x62: {  	[tilespmem:s23], [sflag:$0x2] =	stream.indirect.gather [hbm4b:s1+s21], $0x80, s8, s21, $0x2000b8;
	[tilespmem:$0x1E880] =	vst v63  }
0x63: {  	_ =	swait.ge [sflag:s26], $0x4000  }
0x64: {  	[sflag:s26] =	ssyncset.done $0x0  }
0x65: {  	s31 =	simm.s32 $0x1400;
	[sflag:s26] =	ssyncadd.s32 $0xFFFFC000  }
0x66: {  	[spmem:s2] =	stream.indirect.scatter.add.f32 [tilespmem:s18], [sflag:$0x3], $0x80, s31, s21, $0x2000b8;
	[tilespmem:$0x1E880] =	vst v63  }
0x67: {  	_ =	swait.ge [sflag:s28], $0x4000  }
0x68: {  	[sflag:s28] =	ssyncset.done $0x0  }
0x69: {  	s30 =	simm.s32 $0x400;
	s0 =	simm.s32 $0x1480;
	[sflag:s28] =	ssyncadd.s32 $0xFFFFC000  }
.LBB2_4:
0x6a: {  	[spmem:s2] =	stream.indirect.scatter.add.f32 [tilespmem:s23], [sflag:$0x4], $0x80, s0, s21, $0x2000b8;
	[tilespmem:$0x1E880] =	vst v63  }
0x6b: {  	s0 =	smov.u32 s30  }
0x6c: {  	p1 =	sne.s32 s30, $0x4C00;
	s30 =	sadd.s32 $0x400, s30;
	_ =	swait.ge [sflag:s24], $0x4000  }
0x6d: {  	[sflag:s24] =	ssyncset.done $0x0  }
0x6e: {  	s0 =	sshra.s32 s0, $0x2;
	[sflag:s24] =	ssyncadd.s32 $0xFFFFC000  }
0x6f: {  	[tilespmem:s18], [sflag:$0x1] =	stream.indirect.gather [hbm4b:s1+s21], $0x80, s0, s21, $0x2000b8;
	[tilespmem:$0x1E880] =	vst v63  }
0x70: {  	_ =	swait.ge [sflag:s25], $0x4000  }
0x71: {  	[sflag:s25] =	ssyncset.done $0x0  }
0x72: {  	s8 =	sadd.s32 $0x80, s0;
	[sflag:s25] =	ssyncadd.s32 $0xFFFFC000  }
0x73: {  	[tilespmem:s23], [sflag:$0x2] =	stream.indirect.gather [hbm4b:s1+s21], $0x80, s8, s21, $0x2000b8;
	[tilespmem:$0x1E880] =	vst v63  }
0x74: {  	_ =	swait.ge [sflag:s26], $0x4000  }
0x75: {  	[sflag:s26] =	ssyncset.done $0x0  }
.Ltmp3:
0x76: {  	s8 =	sadd.s32 $0x1400, s0;
	[sflag:s26] =	ssyncadd.s32 $0xFFFFC000;
	(pc) =	sbr.rel @p1 .LBB2_4-.Ltmp3, $4  }
0x77: {  	[spmem:s2] =	stream.indirect.scatter.add.f32 [tilespmem:s18], [sflag:$0x3], $0x80, s8, s21, $0x2000b8;
	[tilespmem:$0x1E880] =	vst v63  }
0x78: {  	_ =	swait.ge [sflag:s28], $0x4000  }
0x79: {  	[sflag:s28] =	ssyncset.done $0x0  }
0x7a: {  	s0 =	sadd.s32 $0x1480, s0;
	[sflag:s28] =	ssyncadd.s32 $0xFFFFC000  }
0x7b: {  	[spmem:s2] =	stream.indirect.scatter.add.f32 [tilespmem:s23], [sflag:$0x4], $0x80, s0, s21, $0x2000b8;
	[tilespmem:$0x1E880] =	vst v63  }
0x7c: {  	_ =	swait.ge [sflag:s24], $0x4000  }
.Ltmp4:
0x7d: {  	[sflag:s24] =	ssyncset.done $0x0;
	(pc) =	sbr.rel @p0 .LBB2_11-.Ltmp4, $4  }
0x7e: {  	[sflag:s24] =	ssyncadd.s32 $0xFFFFC000  }
0x7f: {  	_ =	swait.ge [sflag:s25], $0x4000  }
0x80: {  	[sflag:s25] =	ssyncset.done $0x0  }
0x81: {  	[sflag:s25] =	ssyncadd.s32 $0xFFFFC000  }
0x82: {  	s0 =	simm.s32 $0x0;
	s8 =	rddreg [dreg:$0x4]  }
0x83: {  	[tilespmem:s0], [sflag:$0x5] =	stream.linear.gather [hbm4b:s8+s0], $0x1400, $0x200038;
	[tilespmem:$0x1E880] =	vst v63  }
0x84: {  	_ =	swait.ge [sflag:s19], $0x1400  }
0x85: {  	[sflag:s19] =	ssyncset.done $0x0  }
0x86: {  	[sflag:s19] =	ssyncadd.s32 $0xFFFFEC00  }
0x87: {  	[tilespmem:s20], [sflag:$0x5] =	stream.linear.gather [hbm4b:s9+s0], $0x1400, $0x200038;
	[tilespmem:$0x1E880] =	vst v63  }
0x88: {  	_ =	swait.ge [sflag:s19], $0x1400  }
0x89: {  	[sflag:s19] =	ssyncset.done $0x0  }
0x8a: {  	[sflag:s19] =	ssyncadd.s32 $0xFFFFEC00  }
0x8b: {  	[spmem:s2] =	stream.indirect.scatter.add.f32 [tilespmem:s18], [sflag:$0x3], $0x80, s22, s21, $0x2000b8;
	[tilespmem:$0x1E880] =	vst v63  }
0x8c: {  	_ = 	snop  }
0x8d: {  	[spmem:s2] =	stream.indirect.scatter.add.f32 [tilespmem:s23], [sflag:$0x4], $0x80, s22, s21, $0x2000b8;
	[tilespmem:$0x1E880] =	vst v63  }
0x8e: {  	_ =	swait.ge [sflag:s24], $0x4000  }
0x8f: {  	[sflag:s24] =	ssyncset.done $0x0  }
0x90: {  	s31 =	simm.s32 $0x0;
	[sflag:s24] =	ssyncadd.s32 $0xFFFFC000  }
0x91: {  	[tilespmem:s18], [sflag:$0x1] =	stream.indirect.gather [hbm4b:s1+s21], $0x80, s31, s21, $0x2000b8;
	[tilespmem:$0x1E880] =	vst v63  }
0x92: {  	_ =	swait.ge [sflag:s25], $0x4000  }
0x93: {  	[sflag:s25] =	ssyncset.done $0x0  }
0x94: {  	s8 =	simm.s32 $0x80;
	[sflag:s25] =	ssyncadd.s32 $0xFFFFC000  }
0x95: {  	[tilespmem:s23], [sflag:$0x2] =	stream.indirect.gather [hbm4b:s1+s21], $0x80, s8, s21, $0x2000b8;
	[tilespmem:$0x1E880] =	vst v63  }
0x96: {  	_ =	swait.ge [sflag:s26], $0x4000  }
0x97: {  	[sflag:s26] =	ssyncset.done $0x0  }
0x98: {  	s31 =	simm.s32 $0x1400;
	[sflag:s26] =	ssyncadd.s32 $0xFFFFC000  }
0x99: {  	[spmem:s2] =	stream.indirect.scatter.add.f32 [tilespmem:s18], [sflag:$0x3], $0x80, s31, s21, $0x2000b8;
	[tilespmem:$0x1E880] =	vst v63  }
0x9a: {  	_ =	swait.ge [sflag:s28], $0x4000  }
0x9b: {  	[sflag:s28] =	ssyncset.done $0x0  }
0x9c: {  	s30 =	simm.s32 $0x400;
	s0 =	simm.s32 $0x1480;
	[sflag:s28] =	ssyncadd.s32 $0xFFFFC000  }
.LBB2_7:
0x9d: {  	[spmem:s2] =	stream.indirect.scatter.add.f32 [tilespmem:s23], [sflag:$0x4], $0x80, s0, s21, $0x2000b8;
	[tilespmem:$0x1E880] =	vst v63  }
0x9e: {  	s0 =	smov.u32 s30  }
0x9f: {  	p1 =	sne.s32 s30, $0x4C00;
	s30 =	sadd.s32 $0x400, s30;
	_ =	swait.ge [sflag:s24], $0x4000  }
0xa0: {  	[sflag:s24] =	ssyncset.done $0x0  }
0xa1: {  	s0 =	sshra.s32 s0, $0x2;
	[sflag:s24] =	ssyncadd.s32 $0xFFFFC000  }
0xa2: {  	[tilespmem:s18], [sflag:$0x1] =	stream.indirect.gather [hbm4b:s1+s21], $0x80, s0, s21, $0x2000b8;
	[tilespmem:$0x1E880] =	vst v63  }
0xa3: {  	_ =	swait.ge [sflag:s25], $0x4000  }
0xa4: {  	[sflag:s25] =	ssyncset.done $0x0  }
0xa5: {  	s8 =	sadd.s32 $0x80, s0;
	[sflag:s25] =	ssyncadd.s32 $0xFFFFC000  }
0xa6: {  	[tilespmem:s23], [sflag:$0x2] =	stream.indirect.gather [hbm4b:s1+s21], $0x80, s8, s21, $0x2000b8;
	[tilespmem:$0x1E880] =	vst v63  }
0xa7: {  	_ =	swait.ge [sflag:s26], $0x4000  }
0xa8: {  	[sflag:s26] =	ssyncset.done $0x0  }
.Ltmp5:
0xa9: {  	s8 =	sadd.s32 $0x1400, s0;
	[sflag:s26] =	ssyncadd.s32 $0xFFFFC000;
	(pc) =	sbr.rel @p1 .LBB2_7-.Ltmp5, $4  }
0xaa: {  	[spmem:s2] =	stream.indirect.scatter.add.f32 [tilespmem:s18], [sflag:$0x3], $0x80, s8, s21, $0x2000b8;
	[tilespmem:$0x1E880] =	vst v63  }
0xab: {  	_ =	swait.ge [sflag:s28], $0x4000  }
0xac: {  	[sflag:s28] =	ssyncset.done $0x0  }
0xad: {  	s0 =	sadd.s32 $0x1480, s0;
	[sflag:s28] =	ssyncadd.s32 $0xFFFFC000  }
0xae: {  	[spmem:s2] =	stream.indirect.scatter.add.f32 [tilespmem:s23], [sflag:$0x4], $0x80, s0, s21, $0x2000b8;
	[tilespmem:$0x1E880] =	vst v63  }
0xaf: {  	_ =	swait.ge [sflag:s24], $0x4000  }
0xb0: {  	[sflag:s24] =	ssyncset.done $0x0  }
0xb1: {  	[sflag:s24] =	ssyncadd.s32 $0xFFFFC000  }
0xb2: {  	_ =	swait.ge [sflag:s25], $0x4000  }
0xb3: {  	[sflag:s25] =	ssyncset.done $0x0  }
0xb4: {  	s8 =	simm.s32 $0x0;
	[sflag:s25] =	ssyncadd.s32 $0xFFFFC000  }
0xb5: {  	[tilespmem:s8], [sflag:$0x5] =	stream.linear.gather [hbm4b:s10+s8], $0x1400, $0x200038;
	[tilespmem:$0x1E880] =	vst v63  }
0xb6: {  	_ =	swait.ge [sflag:s19], $0x1400  }
0xb7: {  	[sflag:s19] =	ssyncset.done $0x0  }
0xb8: {  	[sflag:s19] =	ssyncadd.s32 $0xFFFFEC00  }
0xb9: {  	[tilespmem:s20], [sflag:$0x5] =	stream.linear.gather [hbm4b:s11+s8], $0x1400, $0x200038;
	[tilespmem:$0x1E880] =	vst v63  }
0xba: {  	_ =	swait.ge [sflag:s19], $0x1400  }
0xbb: {  	[sflag:s19] =	ssyncset.done $0x0  }
0xbc: {  	[sflag:s19] =	ssyncadd.s32 $0xFFFFEC00  }
0xbd: {  	[spmem:s2] =	stream.indirect.scatter.add.f32 [tilespmem:s18], [sflag:$0x3], $0x80, s22, s21, $0x2000b8;
	[tilespmem:$0x1E880] =	vst v63  }
0xbe: {  	_ = 	snop  }
0xbf: {  	[spmem:s2] =	stream.indirect.scatter.add.f32 [tilespmem:s23], [sflag:$0x4], $0x80, s22, s21, $0x2000b8;
	[tilespmem:$0x1E880] =	vst v63  }
0xc0: {  	_ =	swait.ge [sflag:s24], $0x4000  }
0xc1: {  	[sflag:s24] =	ssyncset.done $0x0  }
0xc2: {  	s31 =	simm.s32 $0x0;
	[sflag:s24] =	ssyncadd.s32 $0xFFFFC000  }
0xc3: {  	[tilespmem:s18], [sflag:$0x1] =	stream.indirect.gather [hbm4b:s1+s21], $0x80, s31, s21, $0x2000b8;
	[tilespmem:$0x1E880] =	vst v63  }
0xc4: {  	_ =	swait.ge [sflag:s25], $0x4000  }
0xc5: {  	[sflag:s25] =	ssyncset.done $0x0  }
0xc6: {  	s8 =	simm.s32 $0x80;
	[sflag:s25] =	ssyncadd.s32 $0xFFFFC000  }
0xc7: {  	[tilespmem:s23], [sflag:$0x2] =	stream.indirect.gather [hbm4b:s1+s21], $0x80, s8, s21, $0x2000b8;
	[tilespmem:$0x1E880] =	vst v63  }
0xc8: {  	_ =	swait.ge [sflag:s26], $0x4000  }
0xc9: {  	[sflag:s26] =	ssyncset.done $0x0  }
0xca: {  	s31 =	simm.s32 $0x1400;
	[sflag:s26] =	ssyncadd.s32 $0xFFFFC000  }
0xcb: {  	[spmem:s2] =	stream.indirect.scatter.add.f32 [tilespmem:s18], [sflag:$0x3], $0x80, s31, s21, $0x2000b8;
	[tilespmem:$0x1E880] =	vst v63  }
0xcc: {  	_ =	swait.ge [sflag:s28], $0x4000  }
0xcd: {  	[sflag:s28] =	ssyncset.done $0x0  }
0xce: {  	s30 =	simm.s32 $0x400;
	s0 =	simm.s32 $0x1480;
	[sflag:s28] =	ssyncadd.s32 $0xFFFFC000  }
.LBB2_9:
0xcf: {  	[spmem:s2] =	stream.indirect.scatter.add.f32 [tilespmem:s23], [sflag:$0x4], $0x80, s0, s21, $0x2000b8;
	[tilespmem:$0x1E880] =	vst v63  }
0xd0: {  	s0 =	smov.u32 s30  }
0xd1: {  	p1 =	sne.s32 s30, $0x4C00;
	s30 =	sadd.s32 $0x400, s30;
	_ =	swait.ge [sflag:s24], $0x4000  }
0xd2: {  	[sflag:s24] =	ssyncset.done $0x0  }
0xd3: {  	s0 =	sshra.s32 s0, $0x2;
	[sflag:s24] =	ssyncadd.s32 $0xFFFFC000  }
0xd4: {  	[tilespmem:s18], [sflag:$0x1] =	stream.indirect.gather [hbm4b:s1+s21], $0x80, s0, s21, $0x2000b8;
	[tilespmem:$0x1E880] =	vst v63  }
0xd5: {  	_ =	swait.ge [sflag:s25], $0x4000  }
0xd6: {  	[sflag:s25] =	ssyncset.done $0x0  }
0xd7: {  	s8 =	sadd.s32 $0x80, s0;
	[sflag:s25] =	ssyncadd.s32 $0xFFFFC000  }
0xd8: {  	[tilespmem:s23], [sflag:$0x2] =	stream.indirect.gather [hbm4b:s1+s21], $0x80, s8, s21, $0x2000b8;
	[tilespmem:$0x1E880] =	vst v63  }
0xd9: {  	_ =	swait.ge [sflag:s26], $0x4000  }
0xda: {  	[sflag:s26] =	ssyncset.done $0x0  }
.Ltmp6:
0xdb: {  	s8 =	sadd.s32 $0x1400, s0;
	[sflag:s26] =	ssyncadd.s32 $0xFFFFC000;
	(pc) =	sbr.rel @p1 .LBB2_9-.Ltmp6, $4  }
0xdc: {  	[spmem:s2] =	stream.indirect.scatter.add.f32 [tilespmem:s18], [sflag:$0x3], $0x80, s8, s21, $0x2000b8;
	[tilespmem:$0x1E880] =	vst v63  }
0xdd: {  	_ =	swait.ge [sflag:s28], $0x4000  }
0xde: {  	[sflag:s28] =	ssyncset.done $0x0  }
0xdf: {  	s0 =	sadd.s32 $0x1480, s0;
	[sflag:s28] =	ssyncadd.s32 $0xFFFFC000  }
.Ltmp7:
0xe0: {  	_ = 	snop;
	(pc) =	sbr.rel .LBB2_10-.Ltmp7, $1  }
0xe1: {  	_ =	sdelay $0x3  }
.LBB2_12:
0xe2: {  	_ =	sfence.sel $0x180000  }
0xe3: {  	[bflag:$0x0] =	sbarrier.arrive $0xFFFF  }
0xe4: {  	_ =	strace $0x90000047  }
0xe5: {  	[bflag:$0x2] =	sbarrier.arrive $0xFFFF  }
0xe6: {  	p0 =	sne.s32 s3, $0x0;
	s0 =	rddreg [dreg:$0x3]  }
0xe7: {  	s0 =	sadd.s32 @!p0 $0x100000, s0  }
0xe8: {  	[sflag:s0] =	ssyncadd.tile.s32 @!p0 $0x1;
	_ =	shalt  }
.Lfunc_end2:
_tile_overlayer_lowered:
.L_overlay_start_2:
0xe9: {  	(tag) =	ssettag $0x2  }
0xea: {  	s0 =	rddreg [dreg:$0x0];
	s2 =	stileid.u32  }
0xeb: {  	s1 =	rddreg [dreg:$0x1];
	p0 =	sne.s32 s2, $0x0  }
0xec: {  	s3 =	rddreg [dreg:$0x2];
	[bflag:$0x3] =	sbarrier.arrive $0xFFFF;
	s2 =	simm.s32 @!p0 $0x1C05  }
0xed: {  	[timem:s3], [sflag:s2] =	dma.local @!p0 [hbm:s0], s1  }
0xee: {  	s0 =	simm.s32 @!p0 $0x5  }
0xef: {  	_ =	swait.ge @!p0 [sflag:s0], s1  }
0xf0: {  	s1 =	ssub.s32 @!p0 $0x0, s1;
	[sflag:s0] =	ssyncset.done @!p0 $0x0  }
0xf1: {  	[sflag:s0] =	ssyncadd.s32 @!p0 s1  }
0xf2: {  	[bflag:$0x3] =	sbarrier.arrive $0xFFFF  }
0xf3: {  	_ =	shalt  }

// kernel: kernel.9.cloned.1.call-start
scs
__scs_entry_jumppad:
0x0: {  	(pc) =	sbr.rel $0x88, $3  }
0x1: {  	(tag) =	ssettag $0x0;
	lr =	simm.s32 $0x1  }
0x2: {  	[smem:$0x3F97] =	sst lr;
	_ =	strace $0xD0000000  }
0x3: {  	_ = 	snop  }
0x4: {  	_ = 	snop  }
0x5: {  	_ = 	snop  }
0x6: {  	_ = 	snop  }
0x7: {  	_ = 	snop  }
__scs_overlays_trampoline_lowered:
0x8: {  	[smem:$0x3FA6] =	sst s0  }
0x9: {  	[smem:$0x3FA7] =	sst s1  }
0xa: {  	[smem:$0x3FA8] =	sst s2  }
0xb: {  	[smem:$0x3FA9] =	sst s3  }
0xc: {  	[smem:$0x3FAA] =	sst s4  }
0xd: {  	[smem:$0x3FAB] =	sst s5  }
0xe: {  	[smem:$0x3FAC] =	sst s6  }
0xf: {  	[smem:$0x3FAD] =	sst s7  }
0x10: {  	[smem:$0x3FAE] =	sst s8  }
0x11: {  	[smem:$0x3FAF] =	sst s9;
	s0 =	simm.s32 @!p0 $0x0  }
0x12: {  	s1 =	sld [smem:$0x3F95];
	s0 =	simm.s32 @p0 $0x1  }
0x13: {  	[smem:$0x3FB0] =	sst s0;
	s0 =	simm.s32 @!p1 $0x0  }
0x14: {  	s2 =	sld [smem:$0x3F94];
	s0 =	simm.s32 @p1 $0x1  }
0x15: {  	[smem:$0x3FB1] =	sst s0;
	s0 =	simm.s32 @!p2 $0x0  }
0x16: {  	s3 =	sld [smem:$0x3FDB];
	s0 =	simm.s32 @p2 $0x1  }
0x17: {  	s4 =	simm.s32 $0x1BF5;
	[smem:$0x3FB3] =	sst s0  }
0x18: {  	s0 =	sld [smem:$0x3F96];
	_ =	swait.ge [sflag:s4], $0x0  }
0x19: {  	s7 =	sld [smem:$0x3F97]  }
0x1a: {  	s8 =	sadd.s32 $0xFFFFE003, lr  }
0x1b: {  	s9 =	sadd.s32 $0xFFFFFEF7, lr;
	s5 =	simm.s32 $0xFFFFFFFF;
	p2 =	slt.u32 s8, $0xFFFFF086  }
0x1c: {  	p1 =	slt.u32 s9, $0xF7A;
	s5 =	simm.s32 @!p2 $0x0  }
0x1d: {  	s5 =	simm.s32 @p1 $0x1;
	p0 =	seq.s32 s7, s2  }
0x1e: {  	s7 =	smul.u32 @!p0 $0xF7A, s2;
	p2 =	seq.s32 @!p0 s5, $0x0  }
0x1f: {  	s9 =	smul.u32 $0xF7A, s1;
	s8 =	simm.s32 @!p0 $0x1BF5;
	p2 =	por !p2, p0  }
0x20: {  	[sflag:s8] =	ssyncset.s32 @!p0 $0xFFFFF086;
	s6 =	sadd.s32 @!p0 s3, s7;
	s7 =	simm.s32 @!p0 $0x108  }
0x21: {  	s3 =	sadd.s32 s3, s9;
	s6 =	sadd.s32 @!p0 $0x88, s6;
	s7 =	simm.s32 @p2 $0x1082  }
0x22: {  	[simem:s7], [sflag:s8] =	dma.local @!p0 [hbm:s6], $0xF7A  }
0x23: {  	s9 =	sor.u32 $0xD0000000, s2;
	s6 =	simm.s32 $0x108;
	_ =	swait.ge @!p0 [sflag:s8], $0x0  }
0x24: {  	s3 =	sadd.s32 $0x88, s3;
	s6 =	simm.s32 @!p1 $0x1082;
	[sflag:s4] =	ssyncset.s32 $0xFFFFF086  }
0x25: {  	[simem:s6], [sflag:s4] =	dma.local [hbm:s3], $0xF7A  }
0x26: {  	[smem:$0x3F97] =	sst s1;
	(tag) =	ssettag s2;
	_ =	strace s9  }
0x27: {  	s1 =	sld [smem:$0x3FA7]  }
0x28: {  	s2 =	sld [smem:$0x3FA8]  }
0x29: {  	s4 =	sld [smem:$0x3FAA]  }
0x2a: {  	p0 =	seq.s32 s5, $0x0;
	s5 =	sld [smem:$0x3FAB]  }
0x2b: {  	s6 =	sld [smem:$0x3FAC]  }
0x2c: {  	s7 =	sld [smem:$0x3FAD]  }
0x2d: {  	s3 =	simm.s32 $0x108;
	s8 =	sld [smem:$0x3FAE]  }
0x2e: {  	s3 =	simm.s32 @!p0 $0x1082;
	s9 =	sld [smem:$0x3FAF]  }
0x2f: {  	lr =	sadd.s32 s0, s3;
	s0 =	sld [smem:$0x3FA6]  }
0x30: {  	s3 =	sld [smem:$0x3FA9]  }
0x31: {  	[smem:$0x3FB2] =	sst s10  }
0x32: {  	s10 =	sld [smem:$0x3FB0];
	_ =	sdelay $0x3  }
0x33: {  	p0 =	seq.s32 s10, $0x1;
	s10 =	sld [smem:$0x3FB2];
	_ =	sdelay $0x3  }
0x34: {  	[smem:$0x3FB2] =	sst s10  }
0x35: {  	s10 =	sld [smem:$0x3FB1];
	_ =	sdelay $0x3  }
0x36: {  	p1 =	seq.s32 s10, $0x1;
	s10 =	sld [smem:$0x3FB2];
	_ =	sdelay $0x3  }
0x37: {  	[smem:$0x3FB2] =	sst s10  }
0x38: {  	s10 =	sld [smem:$0x3FB3]  }
0x39: {  	_ = 	snop;
	(pc) =	sbr.ind lr, $3  }
0x3a: {  	_ = 	snop  }
0x3b: {  	_ = 	snop  }
0x3c: {  	p2 =	seq.s32 s10, $0x1;
	s10 =	sld [smem:$0x3FB2]  }
0x3d: {  	_ =	shalt  }
0x3e: {  	_ =	shalt  }
0x3f: {  	_ =	shalt  }
0x40: {  	_ =	shalt  }
0x41: {  	_ =	shalt  }
0x42: {  	_ =	shalt  }
0x43: {  	_ =	shalt  }
0x44: {  	_ =	shalt  }
0x45: {  	_ =	shalt  }
0x46: {  	_ =	shalt  }
0x47: {  	_ =	shalt  }
0x48: {  	_ =	shalt  }
0x49: {  	_ =	shalt  }
0x4a: {  	_ =	shalt  }
0x4b: {  	_ =	shalt  }
0x4c: {  	_ =	shalt  }
0x4d: {  	_ =	shalt  }
0x4e: {  	_ =	shalt  }
0x4f: {  	_ =	shalt  }
0x50: {  	_ =	shalt  }
0x51: {  	_ =	shalt  }
0x52: {  	_ =	shalt  }
0x53: {  	_ =	shalt  }
0x54: {  	_ =	shalt  }
0x55: {  	_ =	shalt  }
0x56: {  	_ =	shalt  }
0x57: {  	_ =	shalt  }
0x58: {  	_ =	shalt  }
0x59: {  	_ =	shalt  }
0x5a: {  	_ =	shalt  }
0x5b: {  	_ =	shalt  }
0x5c: {  	_ =	shalt  }
0x5d: {  	_ =	shalt  }
0x5e: {  	_ =	shalt  }
0x5f: {  	_ =	shalt  }
0x60: {  	_ =	shalt  }
0x61: {  	_ =	shalt  }
0x62: {  	_ =	shalt  }
0x63: {  	_ =	shalt  }
0x64: {  	_ =	shalt  }
0x65: {  	_ =	shalt  }
0x66: {  	_ =	shalt  }
0x67: {  	_ =	shalt  }
0x68: {  	_ =	shalt  }
0x69: {  	_ =	shalt  }
0x6a: {  	_ =	shalt  }
0x6b: {  	_ =	shalt  }
0x6c: {  	_ =	shalt  }
0x6d: {  	_ =	shalt  }
0x6e: {  	_ =	shalt  }
0x6f: {  	_ =	shalt  }
0x70: {  	_ =	shalt  }
0x71: {  	_ =	shalt  }
0x72: {  	_ =	shalt  }
0x73: {  	_ =	shalt  }
0x74: {  	_ =	shalt  }
0x75: {  	_ =	shalt  }
0x76: {  	_ =	shalt  }
0x77: {  	_ =	shalt  }
0x78: {  	_ =	shalt  }
0x79: {  	_ =	shalt  }
0x7a: {  	_ =	shalt  }
0x7b: {  	_ =	shalt  }
0x7c: {  	_ =	shalt  }
0x7d: {  	_ =	shalt  }
0x7e: {  	_ =	shalt  }
0x7f: {  	_ =	shalt  }
0x80: {  	_ =	shalt  }
0x81: {  	_ =	shalt  }
0x82: {  	_ =	shalt  }
0x83: {  	_ =	shalt  }
0x84: {  	_ =	shalt  }
0x85: {  	_ =	shalt  }
0x86: {  	_ =	shalt  }
0x87: {  	_ =	shalt  }
.Lfunc_end0:
.L_simem_size_0:
called_computation.1_lowered:
.L_overlay_start_0:
0x88: {  	s2 =	sld [smem:$0x3FD9]  }
0x89: {  	s3 =	sld [smem:$0x3FFE];
	_ =	sdelay $0x1  }
0x8a: {  	s1 =	srdreg.scid  }
0x8b: {  	s0 =	sand.u32 $0x1, s1  }
0x8c: {  	s17 =	sshll.u32 s0, $0xA;
	s2 =	sadd.s32 s3, s2  }
0x8d: {  	s2 =	sadd.s32 s2, s17  }
0x8e: {  	[smem:$0x3FBE] =	sst s2  }
0x8f: {  	_ = 	snop  }
0x90: {  	s2 =	sld [smem:$0x3FD0];
	(tm) =	ssettm $0x1  }
0x91: {  	s18 =	sld [smem:$0x3FFB];
	_ =	sdelay $0x3  }
0x92: {  	_ =	strace s18  }
0x93: {  	s3 =	sld [smem:$0x3FFC];
	_ =	sdelay $0x3  }
0x94: {  	_ =	strace s3  }
0x95: {  	s3 =	sld [smem:$0x3FFD];
	_ =	sdelay $0x3  }
0x96: {  	_ =	strace s3  }
0x97: {  	_ =	strace $0x8FFFFFFF  }
0x98: {  	s19 =	sld [smem:$0x3FDB];
	_ =	sdelay $0x1  }
0x99: {  	s4 =	simm.s32 $_scs_section_size  }
0x9a: {  	s5 =	simm.s32 $_size__tile_overlayer_lowered;
	s6 =	simm.s32 $_tile_overlayer_lowered  }
0x9b: {  	s22 =	simm.s32 $0x1BFF;
	s21 =	sshll.u32 s6, $0x1;
	s3 =	sadd.s32 s4, s19  }
0x9c: {  	s7 =	simm.s32 $0x0;
	s20 =	sshll.u32 s5, $0x1;
	s5 =	sadd.s32 s21, s3  }
0x9d: {  	[timem:s7], [sflag:s22] =	dma.local [hbm:s5], s20  }
0x9e: {  	_ =	swait.ge [sflag:s22], s20  }
0x9f: {  	s4 =	ssub.s32 $0x0, s20;
	[sflag:s22] =	ssyncset.done $0x0  }
0xa0: {  	[sflag:s22] =	ssyncadd.s32 s4;
	_ =	sdelay $0x1  }
0xa1: {  	s23 =	simm.s32 $0x1B8B  }
0xa2: {  	_ =	swait.ge [sflag:s23], $0x1  }
0xa3: {  	[sflag:s23] =	ssyncset.done $0x0  }
0xa4: {  	s25 =	simm.s32 $0x1B8E;
	s24 =	sld [smem:$0x3FFE];
	[sflag:s23] =	ssyncadd.s32 $0xFFFFFFFF  }
0xa5: {  	s26 =	simm.s32 $execute0_lowered;
	[smem:$0x3FD2] =	sst s25  }
0xa6: {  	s5 =	sshll.u32 s26, $0x1;
	_ =	strace $0x8000004C;
	[dreg:$0x1] =	wrdreg $0xFFFFFFFF  }
0xa7: {  	s28 =	simm.s32 $_size_execute0_lowered;
	s3 =	sadd.s32 s3, s5;
	[dreg:$0x0] =	wrdreg $0x0  }
0xa8: {  	s5 =	sshll.u32 s28, $0x1;
	[dreg:$0x2] =	wrdreg s3  }
0xa9: {  	[dreg:$0x3] =	wrdreg s5  }
0xaa: {  	[dreg:$0x4] =	wrdreg $0xC0  }
0xab: {  	_ =	task [dreg:s7], $0x5FFFF  }
0xac: {  	[dreg:$0x1] =	wrdreg $0xFFFFFFFF  }
0xad: {  	[dreg:$0x0] =	wrdreg $0x60  }
0xae: {  	[dreg:$0x2] =	wrdreg s2  }
0xaf: {  	[dreg:$0x3] =	wrdreg s24  }
0xb0: {  	[dreg:$0x4] =	wrdreg $0xA8800  }
0xb1: {  	[dreg:$0x5] =	wrdreg $0x9  }
0xb2: {  	_ =	task.clear_ibuf [dreg:s7], $0x6FFFF;
	_ =	strace $0x9000004C  }
0xb3: {  	s29 =	simm.s32 $0x9;
	_ =	strace $0x80000051  }
0xb4: {  	_ =	swait.ge [sflag:s29], $0x1  }
0xb5: {  	[sflag:s29] =	ssyncadd.s32 $0xFFFFFFFF  }
0xb6: {  	_ =	strace $0x90000051  }
0xb7: {  	_ =	sfence  }
0xb8: {  	s30 =	sld [smem:$0x0];
	_ =	sdelay $0x2  }
0xb9: {  	s31 =	sshll.u32 s1, $0xD;
	s1 =	sshrl.u32 s1, $0x2  }
0xba: {  	s3 =	sand.u32 $0x4000, s31;
	s1 =	sadd.s32 s1, s30  }
0xbb: {  	s0 =	sor.u32 s3, s0;
	s1 =	sshll.u32 s1, $0x11  }
0xbc: {  	s0 =	sor.u32 s1, s0  }
0xbd: {  	s0 =	sadd.s32 $0x8F2B, s0  }
0xbe: {  	[sflag:s0] =	ssyncadd.remote.s32 $0x1  }
0xbf: {  	_ =	sfence.sel $0xFFFF  }
0xc0: {  	[dreg:$0x0] =	wrdreg $0xFFFFFFFF;
	(pc) =	sbr.abs _section_cstart, $3  }
0xc1: {  	[dreg:$0x1] =	wrdreg $0xFFFFFFFF  }
0xc2: {  	_ =	task.clear_ibuf [dreg:s7], $0x2FFFF;
	_ =	strace $0x9FFFFFFF  }
0xc3: {  	(tm) =	ssettm $0x7FFFFFFF  }
tec
execute0_lowered:
.L_overlay_start_1:
0x0: {  	(tag) =	ssettag $0x1  }
0x1: {  	s1 =	rddreg [dreg:$0x0]  }
0x2: {  	s0 =	rddreg [dreg:$0x1]  }
0x3: {  	s2 =	rddreg [dreg:$0x2];
	s3 =	srdreg.scid  }
0x4: {  	s4 =	simm.s32 $0x0;
	s18 =	simm.s32 $0x2880;
	s19 =	simm.s32 $0x5  }
0x5: {  	s20 =	simm.s32 $0x1400;
	s21 =	simm.s32 $0x80;
	s22 =	simm.s32 $0x2800  }
0x6: {  	s28 =	simm.s32 $0x2;
	s25 =	sand.u32 $0x1, s3;
	s3 =	stileid.u32  }
0x7: {  	s29 =	simm.s32 $0x0;
	[smem:$0x7FF] =	sst s4;
	s5 =	smul.u32 $0x140000, s25  }
0x8: {  	s10 =	sadd.s32 $0xC000, s0;
	s11 =	sadd.s32 $0x2000, s0;
	s6 =	smul.u32 $0x14000, s3  }
0x9: {  	_ =	strace $0x8000004D;
	s23 =	ssub.s32 $0x0, s25;
	s7 =	smul.u32 $0x5000, s3  }
0xa: {  	s8 =	ssub.s32 $0x2, s25;
	s9 =	smul.u32 $0x50000, s3;
	p0 =	sne.s32 s25, $0x0  }
0xb: {  	s25 =	simm.s32 $0x4;
	s24 =	sshrl.u32 s8, $0x1;
	s5 =	sadd.s32 s6, s5  }
0xc: {  	s6 =	sand.u32 $0x3C00, s23;
	s13 =	ssub.s32 s8, s24;
	s26 =	sshrl.u32 s9, $0x2  }
0xd: {  	s23 =	simm.s32 $0x6880;
	s24 =	simm.s32 $0x3;
	s5 =	sshrl.u32 s5, $0x3  }
0xe: {  	s6 =	sadd.s32 s7, s6;
	s13 =	smax.u32 s13, $0x1;
	s0 =	sadd.s32 s5, s0  }
0xf: {  	s30 =	sshrl.u32 s6, $0x3;
	s5 =	sadd.s32 s26, s2;
	s26 =	simm.s32 $0x1  }
.Ltmp0:
0x10: {  	s6 =	sadd.s32 s10, s30;
	s12 =	sadd.s32 $0x280, s30;
	(pc) =	sbr.rel .LBB2_1-.Ltmp0, $4  }
0x11: {  	s7 =	sadd.s32 s11, s30;
	s14 =	sadd.s32 $0x500, s30;
	s15 =	sadd.s32 $0x8000, s5  }
0x12: {  	s16 =	sadd.s32 $0xC000, s5;
	s17 =	sadd.s32 $0x10000, s5;
	s31 =	sadd.s32 s10, s12  }
0x13: {  	s9 =	sadd.s32 s11, s12;
	s10 =	sadd.s32 s10, s14;
	s11 =	sadd.s32 s11, s14  }
0x14: {  	v0 =	vimm.f32 $0.0e+00;
	v1 =	vimm.s32 $0x27FF;
	s12 =	sadd.s32 $0x16000, s0;
	s14 =	sadd.s32 $0x4000, s5;
	[dreg:$0x4] =	wrdreg s31  }
.LBB2_10:
0x15: {  	[spmem:s2] =	stream.indirect.scatter.add.f32 [tilespmem:s23], [sflag:$0x4], $0x80, s0, s21, $0x2000b8;
	[tilespmem:$0x1E880] =	vst v63  }
0x16: {  	_ =	swait.ge [sflag:s24], $0x4000  }
0x17: {  	[sflag:s24] =	ssyncset.done $0x0  }
0x18: {  	[sflag:s24] =	ssyncadd.s32 $0xFFFFC000  }
0x19: {  	_ =	swait.ge [sflag:s25], $0x4000  }
0x1a: {  	[sflag:s25] =	ssyncset.done $0x0  }
0x1b: {  	[sflag:s25] =	ssyncadd.s32 $0xFFFFC000  }
.LBB2_11:
0x1c: {  	[bflag:$0x0] =	sbarrier.arrive $0xFFFF;
	s0 =	sshll.u32 s3, $0x6  }
0x1d: {  	s8 =	sshrl.u32 s5, $0x3;
	s29 =	sadd.s32 $0x1, s29;
	_ =	strace $0x9000004F  }
0x1e: {  	s0 =	sor.u32 $0x1C05, s0;
	p1 =	sne.s32 s29, s13;
	_ =	strace $0x80000050  }
0x1f: {  	[hbm:s12], [sflag:s0] =	dma.local [spmem:s8], $0x2800  }
.Ltmp1:
0x20: {  	_ = 	snop;
	(pc) =	sbr.rel @!p1 .LBB2_12-.Ltmp1, $4  }
0x21: {  	_ =	swait.ge [sflag:s19], $0x2800  }
0x22: {  	[sflag:s19] =	ssyncset.done $0x0  }
0x23: {  	[sflag:s19] =	ssyncadd.s32 $0xFFFFD800  }
0x24: {  	_ =	strace $0x90000050  }
.LBB2_1:
0x25: {  	s0 =	sand.u32 $0xFE00, s4  }
0x26: {  	s31 =	sand.u32 $0x70, s4;
	s0 =	sshrl.u32 s0, $0x2  }
0x27: {  	s30 =	simm.s32 $0x40;
	s0 =	sor.u32 s31, s0;
	s31 =	simm.s32 $0x0  }
.LBB2_2:
0x28: {  	p1 =	sne.s32 s30, $0xFFC0  }
0x29: {  	[tilespmem:s0+$0x2880] =	vst v0;
	s31 =	sadd.s32 $0x10, s31;
	s0 =	smov.u32 s30;
	s30 =	sadd.s32 $0x40, s30  }
.Ltmp2:
0x2a: {  	(pc) =	sbr.rel @p1 .LBB2_2-.Ltmp2, $4  }
0x2b: {  	_ = 	snop  }
0x2c: {  	s0 =	sand.u32 $0xFE00, s0  }
0x2d: {  	s8 =	sand.u32 $0x70, s31;
	s0 =	sshrl.u32 s0, $0x2  }
0x2e: {  	s0 =	sor.u32 s8, s0  }
0x2f: {  	[tilespmem:s0+$0x2880] =	vst v0  }
0x30: {  	[tilespmem:$0x2800] =	vst v1  }
0x31: {  	[tilespmem:$0x2810] =	vst v1  }
0x32: {  	[tilespmem:$0x2820] =	vst v1  }
0x33: {  	[tilespmem:$0x2830] =	vst v1  }
0x34: {  	[tilespmem:$0x2840] =	vst v1  }
0x35: {  	[tilespmem:$0x2850] =	vst v1  }
0x36: {  	[tilespmem:$0x2860] =	vst v1  }
0x37: {  	[tilespmem:$0x2870] =	vst v1  }
0x38: {  	_ =	strace $0x8000004E  }
0x39: {  	[spmem:s5] =	stream.linear.scatter [tilespmem:s18], [sflag:$0x5], $0x4000, $0x200038;
	[tilespmem:$0x1E880] =	vst v63  }
0x3a: {  	_ =	swait.ge [sflag:s19], $0x4000  }
0x3b: {  	[sflag:s19] =	ssyncset.done $0x0  }
0x3c: {  	[sflag:s19] =	ssyncadd.s32 $0xFFFFC000  }
0x3d: {  	[spmem:s14] =	stream.linear.scatter [tilespmem:s18], [sflag:$0x5], $0x4000, $0x200038;
	[tilespmem:$0x1E880] =	vst v63  }
0x3e: {  	_ =	swait.ge [sflag:s19], $0x4000  }
0x3f: {  	[sflag:s19] =	ssyncset.done $0x0  }
0x40: {  	[sflag:s19] =	ssyncadd.s32 $0xFFFFC000  }
0x41: {  	[spmem:s15] =	stream.linear.scatter [tilespmem:s18], [sflag:$0x5], $0x4000, $0x200038;
	[tilespmem:$0x1E880] =	vst v63  }
0x42: {  	_ =	swait.ge [sflag:s19], $0x4000  }
0x43: {  	[sflag:s19] =	ssyncset.done $0x0  }
0x44: {  	[sflag:s19] =	ssyncadd.s32 $0xFFFFC000  }
0x45: {  	[spmem:s16] =	stream.linear.scatter [tilespmem:s18], [sflag:$0x5], $0x4000, $0x200038;
	[tilespmem:$0x1E880] =	vst v63  }
0x46: {  	_ =	swait.ge [sflag:s19], $0x4000  }
0x47: {  	[sflag:s19] =	ssyncset.done $0x0  }
0x48: {  	[sflag:s19] =	ssyncadd.s32 $0xFFFFC000  }
0x49: {  	[spmem:s17] =	stream.linear.scatter [tilespmem:s18], [sflag:$0x5], $0x4000, $0x200038;
	[tilespmem:$0x1E880] =	vst v63  }
0x4a: {  	_ =	swait.ge [sflag:s19], $0x4000  }
0x4b: {  	[sflag:s19] =	ssyncset.done $0x0  }
0x4c: {  	[sflag:s19] =	ssyncadd.s32 $0xFFFFC000  }
0x4d: {  	[bflag:$0x0] =	sbarrier.arrive $0xFFFF  }
0x4e: {  	_ =	strace $0x9000004E  }
0x4f: {  	s8 =	simm.s32 $0x0;
	_ =	strace $0x8000004F  }
0x50: {  	[tilespmem:s8], [sflag:$0x5] =	stream.linear.gather [hbm4b:s6+s8], $0x1400, $0x200038;
	[tilespmem:$0x1E880] =	vst v63  }
0x51: {  	_ =	swait.ge [sflag:s19], $0x1400  }
0x52: {  	[sflag:s19] =	ssyncset.done $0x0  }
0x53: {  	[sflag:s19] =	ssyncadd.s32 $0xFFFFEC00  }
0x54: {  	[tilespmem:s20], [sflag:$0x5] =	stream.linear.gather [hbm4b:s7+s8], $0x1400, $0x200038;
	[tilespmem:$0x1E880] =	vst v63  }
0x55: {  	_ =	swait.ge [sflag:s19], $0x1400  }
0x56: {  	[sflag:s19] =	ssyncset.done $0x0  }
0x57: {  	[sflag:s19] =	ssyncadd.s32 $0xFFFFEC00  }
0x58: {  	[spmem:s2] =	stream.indirect.scatter.add.f32 [tilespmem:s18], [sflag:$0x3], $0x80, s22, s21, $0x2000b8;
	[tilespmem:$0x1E880] =	vst v63  }
0x59: {  	_ = 	snop  }
0x5a: {  	[spmem:s2] =	stream.indirect.scatter.add.f32 [tilespmem:s23], [sflag:$0x4], $0x80, s22, s21, $0x2000b8;
	[tilespmem:$0x1E880] =	vst v63  }
0x5b: {  	_ =	swait.ge [sflag:s24], $0x4000  }
0x5c: {  	[sflag:s24] =	ssyncset.done $0x0  }
0x5d: {  	s31 =	simm.s32 $0x0;
	[sflag:s24] =	ssyncadd.s32 $0xFFFFC000  }
0x5e: {  	[tilespmem:s18], [sflag:$0x1] =	stream.indirect.gather [hbm4b:s1+s21], $0x80, s31, s21, $0x2000b8;
	[tilespmem:$0x1E880] =	vst v63  }
0x5f: {  	_ =	swait.ge [sflag:s25], $0x4000  }
0x60: {  	[sflag:s25] =	ssyncset.done $0x0  }
0x61: {  	s8 =	simm.s32 $0x80;
	[sflag:s25] =	ssyncadd.s32 $0xFFFFC000  }
0x62: {  	[tilespmem:s23], [sflag:$0x2] =	stream.indirect.gather [hbm4b:s1+s21], $0x80, s8, s21, $0x2000b8;
	[tilespmem:$0x1E880] =	vst v63  }
0x63: {  	_ =	swait.ge [sflag:s26], $0x4000  }
0x64: {  	[sflag:s26] =	ssyncset.done $0x0  }
0x65: {  	s31 =	simm.s32 $0x1400;
	[sflag:s26] =	ssyncadd.s32 $0xFFFFC000  }
0x66: {  	[spmem:s2] =	stream.indirect.scatter.add.f32 [tilespmem:s18], [sflag:$0x3], $0x80, s31, s21, $0x2000b8;
	[tilespmem:$0x1E880] =	vst v63  }
0x67: {  	_ =	swait.ge [sflag:s28], $0x4000  }
0x68: {  	[sflag:s28] =	ssyncset.done $0x0  }
0x69: {  	s30 =	simm.s32 $0x400;
	s0 =	simm.s32 $0x1480;
	[sflag:s28] =	ssyncadd.s32 $0xFFFFC000  }
.LBB2_4:
0x6a: {  	[spmem:s2] =	stream.indirect.scatter.add.f32 [tilespmem:s23], [sflag:$0x4], $0x80, s0, s21, $0x2000b8;
	[tilespmem:$0x1E880] =	vst v63  }
0x6b: {  	s0 =	smov.u32 s30  }
0x6c: {  	p1 =	sne.s32 s30, $0x4C00;
	s30 =	sadd.s32 $0x400, s30;
	_ =	swait.ge [sflag:s24], $0x4000  }
0x6d: {  	[sflag:s24] =	ssyncset.done $0x0  }
0x6e: {  	s0 =	sshra.s32 s0, $0x2;
	[sflag:s24] =	ssyncadd.s32 $0xFFFFC000  }
0x6f: {  	[tilespmem:s18], [sflag:$0x1] =	stream.indirect.gather [hbm4b:s1+s21], $0x80, s0, s21, $0x2000b8;
	[tilespmem:$0x1E880] =	vst v63  }
0x70: {  	_ =	swait.ge [sflag:s25], $0x4000  }
0x71: {  	[sflag:s25] =	ssyncset.done $0x0  }
0x72: {  	s8 =	sadd.s32 $0x80, s0;
	[sflag:s25] =	ssyncadd.s32 $0xFFFFC000  }
0x73: {  	[tilespmem:s23], [sflag:$0x2] =	stream.indirect.gather [hbm4b:s1+s21], $0x80, s8, s21, $0x2000b8;
	[tilespmem:$0x1E880] =	vst v63  }
0x74: {  	_ =	swait.ge [sflag:s26], $0x4000  }
0x75: {  	[sflag:s26] =	ssyncset.done $0x0  }
.Ltmp3:
0x76: {  	s8 =	sadd.s32 $0x1400, s0;
	[sflag:s26] =	ssyncadd.s32 $0xFFFFC000;
	(pc) =	sbr.rel @p1 .LBB2_4-.Ltmp3, $4  }
0x77: {  	[spmem:s2] =	stream.indirect.scatter.add.f32 [tilespmem:s18], [sflag:$0x3], $0x80, s8, s21, $0x2000b8;
	[tilespmem:$0x1E880] =	vst v63  }
0x78: {  	_ =	swait.ge [sflag:s28], $0x4000  }
0x79: {  	[sflag:s28] =	ssyncset.done $0x0  }
0x7a: {  	s0 =	sadd.s32 $0x1480, s0;
	[sflag:s28] =	ssyncadd.s32 $0xFFFFC000  }
0x7b: {  	[spmem:s2] =	stream.indirect.scatter.add.f32 [tilespmem:s23], [sflag:$0x4], $0x80, s0, s21, $0x2000b8;
	[tilespmem:$0x1E880] =	vst v63  }
0x7c: {  	_ =	swait.ge [sflag:s24], $0x4000  }
.Ltmp4:
0x7d: {  	[sflag:s24] =	ssyncset.done $0x0;
	(pc) =	sbr.rel @p0 .LBB2_11-.Ltmp4, $4  }
0x7e: {  	[sflag:s24] =	ssyncadd.s32 $0xFFFFC000  }
0x7f: {  	_ =	swait.ge [sflag:s25], $0x4000  }
0x80: {  	[sflag:s25] =	ssyncset.done $0x0  }
0x81: {  	[sflag:s25] =	ssyncadd.s32 $0xFFFFC000  }
0x82: {  	s0 =	simm.s32 $0x0;
	s8 =	rddreg [dreg:$0x4]  }
0x83: {  	[tilespmem:s0], [sflag:$0x5] =	stream.linear.gather [hbm4b:s8+s0], $0x1400, $0x200038;
	[tilespmem:$0x1E880] =	vst v63  }
0x84: {  	_ =	swait.ge [sflag:s19], $0x1400  }
0x85: {  	[sflag:s19] =	ssyncset.done $0x0  }
0x86: {  	[sflag:s19] =	ssyncadd.s32 $0xFFFFEC00  }
0x87: {  	[tilespmem:s20], [sflag:$0x5] =	stream.linear.gather [hbm4b:s9+s0], $0x1400, $0x200038;
	[tilespmem:$0x1E880] =	vst v63  }
0x88: {  	_ =	swait.ge [sflag:s19], $0x1400  }
0x89: {  	[sflag:s19] =	ssyncset.done $0x0  }
0x8a: {  	[sflag:s19] =	ssyncadd.s32 $0xFFFFEC00  }
0x8b: {  	[spmem:s2] =	stream.indirect.scatter.add.f32 [tilespmem:s18], [sflag:$0x3], $0x80, s22, s21, $0x2000b8;
	[tilespmem:$0x1E880] =	vst v63  }
0x8c: {  	_ = 	snop  }
0x8d: {  	[spmem:s2] =	stream.indirect.scatter.add.f32 [tilespmem:s23], [sflag:$0x4], $0x80, s22, s21, $0x2000b8;
	[tilespmem:$0x1E880] =	vst v63  }
0x8e: {  	_ =	swait.ge [sflag:s24], $0x4000  }
0x8f: {  	[sflag:s24] =	ssyncset.done $0x0  }
0x90: {  	s31 =	simm.s32 $0x0;
	[sflag:s24] =	ssyncadd.s32 $0xFFFFC000  }
0x91: {  	[tilespmem:s18], [sflag:$0x1] =	stream.indirect.gather [hbm4b:s1+s21], $0x80, s31, s21, $0x2000b8;
	[tilespmem:$0x1E880] =	vst v63  }
0x92: {  	_ =	swait.ge [sflag:s25], $0x4000  }
0x93: {  	[sflag:s25] =	ssyncset.done $0x0  }
0x94: {  	s8 =	simm.s32 $0x80;
	[sflag:s25] =	ssyncadd.s32 $0xFFFFC000  }
0x95: {  	[tilespmem:s23], [sflag:$0x2] =	stream.indirect.gather [hbm4b:s1+s21], $0x80, s8, s21, $0x2000b8;
	[tilespmem:$0x1E880] =	vst v63  }
0x96: {  	_ =	swait.ge [sflag:s26], $0x4000  }
0x97: {  	[sflag:s26] =	ssyncset.done $0x0  }
0x98: {  	s31 =	simm.s32 $0x1400;
	[sflag:s26] =	ssyncadd.s32 $0xFFFFC000  }
0x99: {  	[spmem:s2] =	stream.indirect.scatter.add.f32 [tilespmem:s18], [sflag:$0x3], $0x80, s31, s21, $0x2000b8;
	[tilespmem:$0x1E880] =	vst v63  }
0x9a: {  	_ =	swait.ge [sflag:s28], $0x4000  }
0x9b: {  	[sflag:s28] =	ssyncset.done $0x0  }
0x9c: {  	s30 =	simm.s32 $0x400;
	s0 =	simm.s32 $0x1480;
	[sflag:s28] =	ssyncadd.s32 $0xFFFFC000  }
.LBB2_7:
0x9d: {  	[spmem:s2] =	stream.indirect.scatter.add.f32 [tilespmem:s23], [sflag:$0x4], $0x80, s0, s21, $0x2000b8;
	[tilespmem:$0x1E880] =	vst v63  }
0x9e: {  	s0 =	smov.u32 s30  }
0x9f: {  	p1 =	sne.s32 s30, $0x4C00;
	s30 =	sadd.s32 $0x400, s30;
	_ =	swait.ge [sflag:s24], $0x4000  }
0xa0: {  	[sflag:s24] =	ssyncset.done $0x0  }
0xa1: {  	s0 =	sshra.s32 s0, $0x2;
	[sflag:s24] =	ssyncadd.s32 $0xFFFFC000  }
0xa2: {  	[tilespmem:s18], [sflag:$0x1] =	stream.indirect.gather [hbm4b:s1+s21], $0x80, s0, s21, $0x2000b8;
	[tilespmem:$0x1E880] =	vst v63  }
0xa3: {  	_ =	swait.ge [sflag:s25], $0x4000  }
0xa4: {  	[sflag:s25] =	ssyncset.done $0x0  }
0xa5: {  	s8 =	sadd.s32 $0x80, s0;
	[sflag:s25] =	ssyncadd.s32 $0xFFFFC000  }
0xa6: {  	[tilespmem:s23], [sflag:$0x2] =	stream.indirect.gather [hbm4b:s1+s21], $0x80, s8, s21, $0x2000b8;
	[tilespmem:$0x1E880] =	vst v63  }
0xa7: {  	_ =	swait.ge [sflag:s26], $0x4000  }
0xa8: {  	[sflag:s26] =	ssyncset.done $0x0  }
.Ltmp5:
0xa9: {  	s8 =	sadd.s32 $0x1400, s0;
	[sflag:s26] =	ssyncadd.s32 $0xFFFFC000;
	(pc) =	sbr.rel @p1 .LBB2_7-.Ltmp5, $4  }
0xaa: {  	[spmem:s2] =	stream.indirect.scatter.add.f32 [tilespmem:s18], [sflag:$0x3], $0x80, s8, s21, $0x2000b8;
	[tilespmem:$0x1E880] =	vst v63  }
0xab: {  	_ =	swait.ge [sflag:s28], $0x4000  }
0xac: {  	[sflag:s28] =	ssyncset.done $0x0  }
0xad: {  	s0 =	sadd.s32 $0x1480, s0;
	[sflag:s28] =	ssyncadd.s32 $0xFFFFC000  }
0xae: {  	[spmem:s2] =	stream.indirect.scatter.add.f32 [tilespmem:s23], [sflag:$0x4], $0x80, s0, s21, $0x2000b8;
	[tilespmem:$0x1E880] =	vst v63  }
0xaf: {  	_ =	swait.ge [sflag:s24], $0x4000  }
0xb0: {  	[sflag:s24] =	ssyncset.done $0x0  }
0xb1: {  	[sflag:s24] =	ssyncadd.s32 $0xFFFFC000  }
0xb2: {  	_ =	swait.ge [sflag:s25], $0x4000  }
0xb3: {  	[sflag:s25] =	ssyncset.done $0x0  }
0xb4: {  	s8 =	simm.s32 $0x0;
	[sflag:s25] =	ssyncadd.s32 $0xFFFFC000  }
0xb5: {  	[tilespmem:s8], [sflag:$0x5] =	stream.linear.gather [hbm4b:s10+s8], $0x1400, $0x200038;
	[tilespmem:$0x1E880] =	vst v63  }
0xb6: {  	_ =	swait.ge [sflag:s19], $0x1400  }
0xb7: {  	[sflag:s19] =	ssyncset.done $0x0  }
0xb8: {  	[sflag:s19] =	ssyncadd.s32 $0xFFFFEC00  }
0xb9: {  	[tilespmem:s20], [sflag:$0x5] =	stream.linear.gather [hbm4b:s11+s8], $0x1400, $0x200038;
	[tilespmem:$0x1E880] =	vst v63  }
0xba: {  	_ =	swait.ge [sflag:s19], $0x1400  }
0xbb: {  	[sflag:s19] =	ssyncset.done $0x0  }
0xbc: {  	[sflag:s19] =	ssyncadd.s32 $0xFFFFEC00  }
0xbd: {  	[spmem:s2] =	stream.indirect.scatter.add.f32 [tilespmem:s18], [sflag:$0x3], $0x80, s22, s21, $0x2000b8;
	[tilespmem:$0x1E880] =	vst v63  }
0xbe: {  	_ = 	snop  }
0xbf: {  	[spmem:s2] =	stream.indirect.scatter.add.f32 [tilespmem:s23], [sflag:$0x4], $0x80, s22, s21, $0x2000b8;
	[tilespmem:$0x1E880] =	vst v63  }
0xc0: {  	_ =	swait.ge [sflag:s24], $0x4000  }
0xc1: {  	[sflag:s24] =	ssyncset.done $0x0  }
0xc2: {  	s31 =	simm.s32 $0x0;
	[sflag:s24] =	ssyncadd.s32 $0xFFFFC000  }
0xc3: {  	[tilespmem:s18], [sflag:$0x1] =	stream.indirect.gather [hbm4b:s1+s21], $0x80, s31, s21, $0x2000b8;
	[tilespmem:$0x1E880] =	vst v63  }
0xc4: {  	_ =	swait.ge [sflag:s25], $0x4000  }
0xc5: {  	[sflag:s25] =	ssyncset.done $0x0  }
0xc6: {  	s8 =	simm.s32 $0x80;
	[sflag:s25] =	ssyncadd.s32 $0xFFFFC000  }
0xc7: {  	[tilespmem:s23], [sflag:$0x2] =	stream.indirect.gather [hbm4b:s1+s21], $0x80, s8, s21, $0x2000b8;
	[tilespmem:$0x1E880] =	vst v63  }
0xc8: {  	_ =	swait.ge [sflag:s26], $0x4000  }
0xc9: {  	[sflag:s26] =	ssyncset.done $0x0  }
0xca: {  	s31 =	simm.s32 $0x1400;
	[sflag:s26] =	ssyncadd.s32 $0xFFFFC000  }
0xcb: {  	[spmem:s2] =	stream.indirect.scatter.add.f32 [tilespmem:s18], [sflag:$0x3], $0x80, s31, s21, $0x2000b8;
	[tilespmem:$0x1E880] =	vst v63  }
0xcc: {  	_ =	swait.ge [sflag:s28], $0x4000  }
0xcd: {  	[sflag:s28] =	ssyncset.done $0x0  }
0xce: {  	s30 =	simm.s32 $0x400;
	s0 =	simm.s32 $0x1480;
	[sflag:s28] =	ssyncadd.s32 $0xFFFFC000  }
.LBB2_9:
0xcf: {  	[spmem:s2] =	stream.indirect.scatter.add.f32 [tilespmem:s23], [sflag:$0x4], $0x80, s0, s21, $0x2000b8;
	[tilespmem:$0x1E880] =	vst v63  }
0xd0: {  	s0 =	smov.u32 s30  }
0xd1: {  	p1 =	sne.s32 s30, $0x4C00;
	s30 =	sadd.s32 $0x400, s30;
	_ =	swait.ge [sflag:s24], $0x4000  }
0xd2: {  	[sflag:s24] =	ssyncset.done $0x0  }
0xd3: {  	s0 =	sshra.s32 s0, $0x2;
	[sflag:s24] =	ssyncadd.s32 $0xFFFFC000  }
0xd4: {  	[tilespmem:s18], [sflag:$0x1] =	stream.indirect.gather [hbm4b:s1+s21], $0x80, s0, s21, $0x2000b8;
	[tilespmem:$0x1E880] =	vst v63  }
0xd5: {  	_ =	swait.ge [sflag:s25], $0x4000  }
0xd6: {  	[sflag:s25] =	ssyncset.done $0x0  }
0xd7: {  	s8 =	sadd.s32 $0x80, s0;
	[sflag:s25] =	ssyncadd.s32 $0xFFFFC000  }
0xd8: {  	[tilespmem:s23], [sflag:$0x2] =	stream.indirect.gather [hbm4b:s1+s21], $0x80, s8, s21, $0x2000b8;
	[tilespmem:$0x1E880] =	vst v63  }
0xd9: {  	_ =	swait.ge [sflag:s26], $0x4000  }
0xda: {  	[sflag:s26] =	ssyncset.done $0x0  }
.Ltmp6:
0xdb: {  	s8 =	sadd.s32 $0x1400, s0;
	[sflag:s26] =	ssyncadd.s32 $0xFFFFC000;
	(pc) =	sbr.rel @p1 .LBB2_9-.Ltmp6, $4  }
0xdc: {  	[spmem:s2] =	stream.indirect.scatter.add.f32 [tilespmem:s18], [sflag:$0x3], $0x80, s8, s21, $0x2000b8;
	[tilespmem:$0x1E880] =	vst v63  }
0xdd: {  	_ =	swait.ge [sflag:s28], $0x4000  }
0xde: {  	[sflag:s28] =	ssyncset.done $0x0  }
0xdf: {  	s0 =	sadd.s32 $0x1480, s0;
	[sflag:s28] =	ssyncadd.s32 $0xFFFFC000  }
.Ltmp7:
0xe0: {  	_ = 	snop;
	(pc) =	sbr.rel .LBB2_10-.Ltmp7, $1  }
0xe1: {  	_ =	sdelay $0x3  }
.LBB2_12:
0xe2: {  	_ =	sfence.sel $0x180000  }
0xe3: {  	[bflag:$0x0] =	sbarrier.arrive $0xFFFF  }
0xe4: {  	_ =	strace $0x9000004D  }
0xe5: {  	[bflag:$0x2] =	sbarrier.arrive $0xFFFF  }
0xe6: {  	p0 =	sne.s32 s3, $0x0;
	s0 =	rddreg [dreg:$0x3]  }
0xe7: {  	s0 =	sadd.s32 @!p0 $0x100000, s0  }
0xe8: {  	[sflag:s0] =	ssyncadd.tile.s32 @!p0 $0x1;
	_ =	shalt  }
.Lfunc_end2:
_tile_overlayer_lowered:
.L_overlay_start_2:
0xe9: {  	(tag) =	ssettag $0x2  }
0xea: {  	s0 =	rddreg [dreg:$0x0];
	s2 =	stileid.u32  }
0xeb: {  	s1 =	rddreg [dreg:$0x1];
	p0 =	sne.s32 s2, $0x0  }
0xec: {  	s3 =	rddreg [dreg:$0x2];
	[bflag:$0x3] =	sbarrier.arrive $0xFFFF;
	s2 =	simm.s32 @!p0 $0x1C05  }
0xed: {  	[timem:s3], [sflag:s2] =	dma.local @!p0 [hbm:s0], s1  }
0xee: {  	s0 =	simm.s32 @!p0 $0x5  }
0xef: {  	_ =	swait.ge @!p0 [sflag:s0], s1  }
0xf0: {  	s1 =	ssub.s32 @!p0 $0x0, s1;
	[sflag:s0] =	ssyncset.done @!p0 $0x0  }
0xf1: {  	[sflag:s0] =	ssyncadd.s32 @!p0 s1  }
0xf2: {  	[bflag:$0x3] =	sbarrier.arrive $0xFFFF  }
0xf3: {  	_ =	shalt  }

</sc_bundles>
